<compile_context>
chip_gen: v7x
topology: tpu7x:2x2x1
jax: 0.10.2.dev20260603
libtpu: 0.0.44.dev20260713+nightly
codegen_flags: <defaults>
</compile_context>

<pallas_src>
import functools

import jax
import jax.numpy as jnp
from jax import lax
from jax.experimental import pallas as pl
from jax.experimental.pallas import tpu as pltpu
from jax.experimental.pallas import tpu_sc as plsc

N = 10000
E = 320000
D = 128

NC = 2
NS = 16
NW = NC * NS

CHUNK = 128
CHUNKS = 79
E_PAD = NW * CHUNKS * CHUNK
NPAD = 10240
TILE_N = NPAD // NS

_mesh = plsc.VectorSubcoreMesh(core_axis_name="c", subcore_axis_name="s")


@functools.partial(
    pl.kernel,
    out_type=jax.ShapeDtypeStruct((NC, 2, NPAD), jnp.float32),
    mesh=_mesh,
    scratch_types=[
        pltpu.VMEM((CHUNKS, CHUNK), jnp.int32),
        pltpu.VMEM((CHUNKS, CHUNK), jnp.int32),
        pltpu.VMEM((CHUNK,), jnp.float32),
        pltpu.VMEM((TILE_N,), jnp.float32),
        pltpu.VMEM_SHARED((NPAD,), jnp.float32),
        pltpu.VMEM_SHARED((NPAD,), jnp.float32),
    ],
)
def _hist(src_hbm, dst_hbm, out_hbm, src_v, dst_v, ones_v, buf_v, ho_sh, hi_sh):
    c = lax.axis_index("c")
    s = lax.axis_index("s")
    wid = s * NC + c

    def fill_ones(i, carry):
        ones_v[pl.ds(i * 16, 16)] = jnp.ones((16,), jnp.float32)
        return carry

    lax.fori_loop(0, CHUNK // 16, fill_ones, 0)

    def fill_zeros(i, carry):
        buf_v[pl.ds(i * 16, 16)] = jnp.zeros((16,), jnp.float32)
        return carry

    lax.fori_loop(0, TILE_N // 16, fill_zeros, 0)

    pltpu.sync_copy(buf_v, ho_sh.at[pl.ds(s * TILE_N, TILE_N)])
    pltpu.sync_copy(buf_v, hi_sh.at[pl.ds(s * TILE_N, TILE_N)])
    plsc.subcore_barrier()

    pltpu.sync_copy(src_hbm.at[wid], src_v)
    pltpu.sync_copy(dst_hbm.at[wid], dst_v)

    def body(j, carry):
        pltpu.sync_copy(ones_v, ho_sh.at[src_v.at[j]], add=True)
        pltpu.sync_copy(ones_v, hi_sh.at[dst_v.at[j]], add=True)
        return carry

    lax.fori_loop(0, CHUNKS, body, 0)
    plsc.subcore_barrier()

    pltpu.sync_copy(ho_sh.at[pl.ds(s * TILE_N, TILE_N)], buf_v)
    pltpu.sync_copy(buf_v, out_hbm.at[c, 0, pl.ds(s * TILE_N, TILE_N)])
    pltpu.sync_copy(hi_sh.at[pl.ds(s * TILE_N, TILE_N)], buf_v)
    pltpu.sync_copy(buf_v, out_hbm.at[c, 1, pl.ds(s * TILE_N, TILE_N)])


def _prep_body(deg_ref, feat_ref, w_ref, feat2_ref, normr_ref):
    deg = deg_ref[...]
    deg_out = deg[0, 0] + deg[1, 0]
    deg_in = deg[0, 1] + deg[1, 1]
    norm_l = lax.rsqrt(jnp.maximum(deg_out, 1.0))
    normr_ref[...] = lax.rsqrt(jnp.maximum(deg_in, 1.0))
    scaled = feat_ref[...] * norm_l
    feat2_ref[...] = lax.dot_general(
        scaled, w_ref[...], (((1,), (1,)), ((), ())),
        preferred_element_type=jnp.float32)


_prep = pl.pallas_call(
    _prep_body,
    out_shape=[
        jax.ShapeDtypeStruct((NPAD, D), jnp.float32),
        jax.ShapeDtypeStruct((NPAD, 1), jnp.float32),
    ],
)


@functools.partial(
    pl.kernel,
    out_type=jax.ShapeDtypeStruct((NC, NPAD, D), jnp.float32),
    mesh=_mesh,
    scratch_types=[
        pltpu.VMEM((CHUNKS, CHUNK), jnp.int32),
        pltpu.VMEM((CHUNKS, CHUNK), jnp.int32),
        pltpu.VMEM((CHUNK, D), jnp.float32),
        pltpu.VMEM((64, D), jnp.float32),
        pltpu.VMEM_SHARED((NPAD, D), jnp.float32),
        pltpu.SemaphoreType.DMA,
    ],
)
def _spmm(feat2_hbm, src_hbm, dst_hbm, out_hbm, src_v, dst_v, rows_v, buf_v,
          acc_sh, sem):
    c = lax.axis_index("c")
    s = lax.axis_index("s")
    wid = s * NC + c

    def fill_zeros(i, carry):
        r = i // (D // 16)
        k = i % (D // 16)
        buf_v[r, pl.ds(k * 16, 16)] = jnp.zeros((16,), jnp.float32)
        return carry

    lax.fori_loop(0, 64 * (D // 16), fill_zeros, 0)

    def zero_acc(i, carry):
        pltpu.sync_copy(buf_v, acc_sh.at[pl.ds(s * TILE_N + i * 64, 64)])
        return carry

    lax.fori_loop(0, TILE_N // 64, zero_acc, 0)
    plsc.subcore_barrier()

    pltpu.sync_copy(src_hbm.at[wid], src_v)
    pltpu.sync_copy(dst_hbm.at[wid], dst_v)

    def body(j, carry):
        pltpu.async_copy(feat2_hbm.at[src_v.at[j]], rows_v, sem).wait()
        pltpu.sync_copy(rows_v, acc_sh.at[dst_v.at[j]], add=True)
        return carry

    lax.fori_loop(0, CHUNKS, body, 0)
    plsc.subcore_barrier()

    def writeback(i, carry):
        pltpu.sync_copy(acc_sh.at[pl.ds(s * TILE_N + i * 64, 64)], buf_v)
        pltpu.sync_copy(buf_v, out_hbm.at[c, pl.ds(s * TILE_N + i * 64, 64)])
        return carry

    lax.fori_loop(0, TILE_N // 64, writeback, 0)


def _finish_body(p_ref, normr_ref, bias_ref, out_ref):
    p = p_ref[0] + p_ref[1]
    out_ref[...] = p[:N] * normr_ref[:N] + bias_ref[...]


_finish = pl.pallas_call(
    _finish_body,
    out_shape=jax.ShapeDtypeStruct((N, D), jnp.float32),
)


def kernel(feat, edge_index, weight, bias):
    feat_pad = jnp.pad(feat, ((0, NPAD - N), (0, 0)))
    pad_e = E_PAD - E
    src = jnp.concatenate([edge_index[0], jnp.full((pad_e,), N, jnp.int32)])
    dst = jnp.concatenate([edge_index[1], jnp.full((pad_e,), N, jnp.int32)])
    src = src.reshape(NW, CHUNKS, CHUNK)
    dst = dst.reshape(NW, CHUNKS, CHUNK)

    deg = _hist(src, dst)
    feat2, norm_r = _prep(deg[..., None], feat_pad, weight)
    partials = _spmm(feat2, src, dst)
    out = _finish(partials, norm_r, bias.reshape(1, D))
    return out

# --- scband reference (transcript-rebuilt; emitter-appended) ---
"""Pipeline reference for scband-qgraph-conv-1864015807109 (READ-ONLY COPY).

The authoritative reference and input builder live on the scoring server;
editing this copy changes nothing except your own understanding.
"""

import jax, jax.numpy as jnp
import numpy as np

N_NODES = 10000
N_EDGES = 320000
D_IN = 128
D_OUT = 128


def setup_inputs(seed: int = 0) -> dict:
    key = jax.random.key(seed)
    k1, k2, k3, k4 = jax.random.split(key, 4)
    feat = jax.random.normal(k1, (N_NODES, D_IN), dtype=jnp.float32)
    edge_index = jax.random.randint(k2, (2, N_EDGES), 0, N_NODES, dtype=jnp.int32)
    # xavier_uniform for weight [out_feats, in_feats]
    a = float(np.sqrt(6.0 / (D_IN + D_OUT)))
    weight = jax.random.uniform(k3, (D_OUT, D_IN), dtype=jnp.float32, minval=-a, maxval=a)
    bias = jnp.zeros((D_OUT,), dtype=jnp.float32)
    return {"feat": feat, "edge_index": edge_index, "weight": weight, "bias": bias}


def reference(feat, edge_index, weight, bias):
    # QGraphConv with norm='both', in_feats == out_feats so the
    # aggregate-then-linear branch is taken (not in_feats > out_feats).
    src = edge_index[0]
    dst = edge_index[1]
    # left normalization: out-degree^{-1/2} applied to source features
    deg_out = jnp.bincount(src, length=N_NODES).astype(jnp.float32)
    deg_out = jnp.clip(deg_out, 1.0, None)
    norm_l = jnp.power(deg_out, -0.5)
    feat_src = feat * norm_l[:, None]
    # message passing: copy_u + sum reduce (SpMM with adjacency)
    msg = jnp.take(feat_src, src, axis=0)
    rst = jax.ops.segment_sum(msg, dst, num_segments=N_NODES)
    # linear: weight is [out_feats, in_feats]
    rst = rst @ weight.T
    # right normalization: in-degree^{-1/2} applied to output
    deg_in = jnp.bincount(dst, length=N_NODES).astype(jnp.float32)
    deg_in = jnp.clip(deg_in, 1.0, None)
    norm_r = jnp.power(deg_in, -0.5)
    rst = rst * norm_r[:, None]
    rst = rst + bias
    return rst

if __name__ == "__main__":
    import jax
    _d = setup_inputs()
    print(jax.jit(kernel)(*tuple(_d.values())))

</pallas_src>

<mosaic_0001>
#map = affine_map<(d0, d1) -> (0, 0)>
#map1 = affine_map<(d0, d1) -> (0, 0, 0)>
module attributes {stable_mosaic.version = 14 : i64} {
  func.func @_spmm(%arg0: i32, %arg1: i32, %arg2: memref<10240x128xf32, #tpu.memory_space<hbm>>, %arg3: memref<32x79x128xi32, #tpu.memory_space<hbm>>, %arg4: memref<32x79x128xi32, #tpu.memory_space<hbm>>, %arg5: memref<2x10240x128xf32, #tpu.memory_space<hbm>>, %arg6: memref<79x128xi32, #tpu.memory_space<vmem>>, %arg7: memref<79x128xi32, #tpu.memory_space<vmem>>, %arg8: memref<128x128xf32, #tpu.memory_space<vmem>>, %arg9: memref<64x128xf32, #tpu.memory_space<vmem>>, %arg10: memref<10240x128xf32, #tpu.memory_space<vmem_shared>>, %arg11: memref<!tpu.dma_semaphore, #tpu.memory_space<semaphore_mem>>) attributes {dimension_semantics = [#tpu.dimension_semantics<core_parallel>, #tpu.dimension_semantics<subcore_parallel>], iteration_bounds = array<i64: 2, 16>, scalar_prefetch = 0 : i64, scratch_operands = 6 : i64, tpu.core_type = #tpu.core_type<sc_vector_subcore>, window_params = [{transform_indices = #map}, {transform_indices = #map1}, {transform_indices = #map1}, {transform_indices = #map1}]} {
    %mul3A = arith.constant 2 : i32
    %mul3A_0 = arith.muli %arg1, %mul3A : i32
    %add3A = arith.addi %mul3A_0, %arg0 : i32
    %scan3A = arith.constant 0 : i32
    %scan3A_1 = arith.constant 0 : i32
    %scan3A_2 = arith.constant 512 : i32
    %scan3A_3 = arith.addi %scan3A_1, %scan3A_2 : i32
    %scan3A_4 = arith.constant 1 : i32
    scf.for %scan3A_25 = %scan3A_1 to %scan3A_3 step %scan3A_4  : i32 {
      %jit3A = arith.constant 8 : i32
      %div3A = arith.divsi %scan3A_25, %jit3A : i32
      %sign3A = arith.constant 0 : i32
      %sign3A_26 = arith.cmpi sgt, %scan3A_25, %sign3A : i32
      %sign3A_27 = arith.extui %sign3A_26 : i1 to i32
      %sign3A_28 = arith.constant 0 : i32
      %sign3A_29 = arith.cmpi slt, %scan3A_25, %sign3A_28 : i32
      %sign3A_30 = arith.extui %sign3A_29 : i1 to i32
      %sign3A_31 = arith.subi %sign3A_27, %sign3A_30 : i32
      %sign3A_32 = arith.constant 0 : i32
      %sign3A_33 = arith.cmpi sgt, %jit3A, %sign3A_32 : i32
      %sign3A_34 = arith.extui %sign3A_33 : i1 to i32
      %sign3A_35 = arith.constant 0 : i32
      %sign3A_36 = arith.cmpi slt, %jit3A, %sign3A_35 : i32
      %sign3A_37 = arith.extui %sign3A_36 : i1 to i32
      %sign3A_38 = arith.subi %sign3A_34, %sign3A_37 : i32
      %ne3A = arith.cmpi ne, %sign3A_31, %sign3A_38 : i32
      %rem3A = arith.remsi %scan3A_25, %jit3A : i32
      %ne3A_39 = arith.constant 0 : i32
      %ne3A_40 = arith.cmpi ne, %rem3A, %ne3A_39 : i32
      %and3A = arith.andi %ne3A, %ne3A_40 : i1
      %sub3A = arith.constant 1 : i32
      %sub3A_41 = arith.subi %div3A, %sub3A : i32
      %select_n3A = arith.select %and3A, %sub3A_41, %div3A : i32
      %jit3A_42 = arith.constant 8 : i32
      %eq3A = arith.constant 0 : i32
      %eq3A_43 = arith.cmpi eq, %jit3A_42, %eq3A : i32
      %jit3A_44 = arith.constant 1 : i32
      %select_n3A_45 = arith.select %eq3A_43, %jit3A_44, %jit3A_42 : i32
      %rem3A_46 = arith.remsi %scan3A_25, %select_n3A_45 : i32
      %ne3A_47 = arith.constant 0 : i32
      %ne3A_48 = arith.cmpi ne, %rem3A_46, %ne3A_47 : i32
      %lt3A = arith.constant 0 : i32
      %lt3A_49 = arith.cmpi slt, %rem3A_46, %lt3A : i32
      %lt3A_50 = arith.constant 0 : i32
      %lt3A_51 = arith.cmpi slt, %select_n3A_45, %lt3A_50 : i32
      %ne3A_52 = arith.xori %lt3A_49, %lt3A_51 : i1
      %and3A_53 = arith.andi %ne3A_52, %ne3A_48 : i1
      %add3A_54 = arith.addi %rem3A_46, %select_n3A_45 : i32
      %select_n3A_55 = arith.select %and3A_53, %add3A_54, %rem3A_46 : i32
      %broadcast_in_dim3A = arith.constant 0.000000e+00 : f32
      %broadcast_in_dim3A_56 = vector.broadcast %broadcast_in_dim3A : f32 to vector<16xf32>
      %mul3A_57 = arith.constant 16 : i32
      %mul3A_58 = arith.muli %select_n3A_55, %mul3A_57 : i32
      %swap3A = arith.index_cast %select_n3A : i32 to index
      %swap3A_59 = arith.index_cast %mul3A_58 : i32 to index
      %swap3A_60 = tpu.vector_load %arg9[%swap3A, %swap3A_59] {strides = array<i32>} : memref<64x128xf32, #tpu.memory_space<vmem>>, vector<1x16xf32>,
      %swap3A_61 = vector.shape_cast %swap3A_60 : vector<1x16xf32> to vector<16xf32>
      %swap3A_62 = vector.shape_cast %broadcast_in_dim3A_56 : vector<16xf32> to vector<1x16xf32>
      tpu.vector_store %arg9[%swap3A, %swap3A_59], %swap3A_62 {strides = array<i32>} : memref<64x128xf32, #tpu.memory_space<vmem>>, vector<1x16xf32>,
    }
    %scan3A_5 = arith.constant 512 : i32
    %scan3A_6 = arith.constant 0 : i32
    %scan3A_7 = arith.constant 0 : i32
    %scan3A_8 = arith.constant 10 : i32
    %scan3A_9 = arith.addi %scan3A_7, %scan3A_8 : i32
    %scan3A_10 = arith.constant 1 : i32
    scf.for %scan3A_25 = %scan3A_7 to %scan3A_9 step %scan3A_10  : i32 {
      %mul3A_26 = arith.constant 640 : i32
      %mul3A_27 = arith.muli %arg1, %mul3A_26 : i32
      %mul3A_28 = arith.constant 64 : i32
      %mul3A_29 = arith.muli %scan3A_25, %mul3A_28 : i32
      %add3A_30 = arith.addi %mul3A_27, %mul3A_29 : i32
      "tpu.region"() ({
        %run_scoped3A = tpu.sem_alloc : memref<!tpu.dma_semaphore, #tpu.memory_space<semaphore_mem>>
        %dma_start3A = arith.constant 0 : i32
        %dma_start3A_31 = tpu.memref_slice %arg10[%add3A_30, %dma_start3A] : memref<10240x128xf32, #tpu.memory_space<vmem_shared>> -> memref<64x128xf32, #tpu.memory_space<vmem_shared>>
        %dma_start3A_32 = arith.constant 0 : i32
        %dma_start3A_33 = tpu.memref_slice %arg10[%add3A_30, %dma_start3A_32] : memref<10240x128xf32, #tpu.memory_space<vmem_shared>> -> memref<64x128xf32, #tpu.memory_space<vmem_shared>>
        tpu.enqueue_dma source(%arg9 : memref<64x128xf32, #tpu.memory_space<vmem>>) target(%dma_start3A_33 : memref<64x128xf32, #tpu.memory_space<vmem_shared>>) target_semaphore(%run_scoped3A : memref<!tpu.dma_semaphore, #tpu.memory_space<semaphore_mem>>)
        %dma_wait3A = arith.constant 0 : i32
        %dma_wait3A_34 = tpu.memref_slice %arg10[%add3A_30, %dma_wait3A] : memref<10240x128xf32, #tpu.memory_space<vmem_shared>> -> memref<64x128xf32, #tpu.memory_space<vmem_shared>>
        %dma_wait3A_35 = arith.constant 0 : i32
        %dma_wait3A_36 = tpu.memref_slice %arg10[%add3A_30, %dma_wait3A_35] : memref<10240x128xf32, #tpu.memory_space<vmem_shared>> -> memref<64x128xf32, #tpu.memory_space<vmem_shared>>
        tpu.wait_dma2 semaphore(%run_scoped3A : memref<!tpu.dma_semaphore, #tpu.memory_space<semaphore_mem>>) src(%arg9 : memref<64x128xf32, #tpu.memory_space<vmem>>) dst(%dma_wait3A_36 : memref<64x128xf32, #tpu.memory_space<vmem_shared>>)
        tpu.yield
      }) : () -> ()
    }
    %scan3A_11 = arith.constant 10 : i32
    %barrier3A = arith.constant 0 : index
    tpu.barrier barrier_id(%barrier3A)
    "tpu.region"() ({
      %run_scoped3A = tpu.sem_alloc : memref<!tpu.dma_semaphore, #tpu.memory_space<semaphore_mem>>
      %dma_start3A = arith.constant 0 : i32
      %dma_start3A_25 = arith.constant 0 : i32
      %dma_start3A_26 = tpu.memref_slice %arg3[%add3A, %dma_start3A, %dma_start3A_25] : memref<32x79x128xi32, #tpu.memory_space<hbm>> -> memref<1x79x128xi32, #tpu.memory_space<hbm>>
      %dma_start3A_27 = tpu.memref_squeeze %dma_start3A_26 : memref<1x79x128xi32, #tpu.memory_space<hbm>> -> memref<79x128xi32, #tpu.memory_space<hbm>>
      %dma_start3A_28 = arith.constant 0 : i32
      %dma_start3A_29 = arith.constant 0 : i32
      %dma_start3A_30 = tpu.memref_slice %arg3[%add3A, %dma_start3A_28, %dma_start3A_29] : memref<32x79x128xi32, #tpu.memory_space<hbm>> -> memref<1x79x128xi32, #tpu.memory_space<hbm>>
      %dma_start3A_31 = tpu.memref_squeeze %dma_start3A_30 : memref<1x79x128xi32, #tpu.memory_space<hbm>> -> memref<79x128xi32, #tpu.memory_space<hbm>>
      tpu.enqueue_dma source(%dma_start3A_31 : memref<79x128xi32, #tpu.memory_space<hbm>>) target(%arg6 : memref<79x128xi32, #tpu.memory_space<vmem>>) target_semaphore(%run_scoped3A : memref<!tpu.dma_semaphore, #tpu.memory_space<semaphore_mem>>)
      %dma_wait3A = arith.constant 0 : i32
      %dma_wait3A_32 = arith.constant 0 : i32
      %dma_wait3A_33 = tpu.memref_slice %arg3[%add3A, %dma_wait3A, %dma_wait3A_32] : memref<32x79x128xi32, #tpu.memory_space<hbm>> -> memref<1x79x128xi32, #tpu.memory_space<hbm>>
      %dma_wait3A_34 = tpu.memref_squeeze %dma_wait3A_33 : memref<1x79x128xi32, #tpu.memory_space<hbm>> -> memref<79x128xi32, #tpu.memory_space<hbm>>
      %dma_wait3A_35 = arith.constant 0 : i32
      %dma_wait3A_36 = arith.constant 0 : i32
      %dma_wait3A_37 = tpu.memref_slice %arg3[%add3A, %dma_wait3A_35, %dma_wait3A_36] : memref<32x79x128xi32, #tpu.memory_space<hbm>> -> memref<1x79x128xi32, #tpu.memory_space<hbm>>
      %dma_wait3A_38 = tpu.memref_squeeze %dma_wait3A_37 : memref<1x79x128xi32, #tpu.memory_space<hbm>> -> memref<79x128xi32, #tpu.memory_space<hbm>>
      tpu.wait_dma2 semaphore(%run_scoped3A : memref<!tpu.dma_semaphore, #tpu.memory_space<semaphore_mem>>) src(%dma_wait3A_38 : memref<79x128xi32, #tpu.memory_space<hbm>>) dst(%arg6 : memref<79x128xi32, #tpu.memory_space<vmem>>)
      tpu.yield
    }) : () -> ()
    "tpu.region"() ({
      %run_scoped3A = tpu.sem_alloc : memref<!tpu.dma_semaphore, #tpu.memory_space<semaphore_mem>>
      %dma_start3A = arith.constant 0 : i32
      %dma_start3A_25 = arith.constant 0 : i32
      %dma_start3A_26 = tpu.memref_slice %arg4[%add3A, %dma_start3A, %dma_start3A_25] : memref<32x79x128xi32, #tpu.memory_space<hbm>> -> memref<1x79x128xi32, #tpu.memory_space<hbm>>
      %dma_start3A_27 = tpu.memref_squeeze %dma_start3A_26 : memref<1x79x128xi32, #tpu.memory_space<hbm>> -> memref<79x128xi32, #tpu.memory_space<hbm>>
      %dma_start3A_28 = arith.constant 0 : i32
      %dma_start3A_29 = arith.constant 0 : i32
      %dma_start3A_30 = tpu.memref_slice %arg4[%add3A, %dma_start3A_28, %dma_start3A_29] : memref<32x79x128xi32, #tpu.memory_space<hbm>> -> memref<1x79x128xi32, #tpu.memory_space<hbm>>
      %dma_start3A_31 = tpu.memref_squeeze %dma_start3A_30 : memref<1x79x128xi32, #tpu.memory_space<hbm>> -> memref<79x128xi32, #tpu.memory_space<hbm>>
      tpu.enqueue_dma source(%dma_start3A_31 : memref<79x128xi32, #tpu.memory_space<hbm>>) target(%arg7 : memref<79x128xi32, #tpu.memory_space<vmem>>) target_semaphore(%run_scoped3A : memref<!tpu.dma_semaphore, #tpu.memory_space<semaphore_mem>>)
      %dma_wait3A = arith.constant 0 : i32
      %dma_wait3A_32 = arith.constant 0 : i32
      %dma_wait3A_33 = tpu.memref_slice %arg4[%add3A, %dma_wait3A, %dma_wait3A_32] : memref<32x79x128xi32, #tpu.memory_space<hbm>> -> memref<1x79x128xi32, #tpu.memory_space<hbm>>
      %dma_wait3A_34 = tpu.memref_squeeze %dma_wait3A_33 : memref<1x79x128xi32, #tpu.memory_space<hbm>> -> memref<79x128xi32, #tpu.memory_space<hbm>>
      %dma_wait3A_35 = arith.constant 0 : i32
      %dma_wait3A_36 = arith.constant 0 : i32
      %dma_wait3A_37 = tpu.memref_slice %arg4[%add3A, %dma_wait3A_35, %dma_wait3A_36] : memref<32x79x128xi32, #tpu.memory_space<hbm>> -> memref<1x79x128xi32, #tpu.memory_space<hbm>>
      %dma_wait3A_38 = tpu.memref_squeeze %dma_wait3A_37 : memref<1x79x128xi32, #tpu.memory_space<hbm>> -> memref<79x128xi32, #tpu.memory_space<hbm>>
      tpu.wait_dma2 semaphore(%run_scoped3A : memref<!tpu.dma_semaphore, #tpu.memory_space<semaphore_mem>>) src(%dma_wait3A_38 : memref<79x128xi32, #tpu.memory_space<hbm>>) dst(%arg7 : memref<79x128xi32, #tpu.memory_space<vmem>>)
      tpu.yield
    }) : () -> ()
    %scan3A_12 = arith.constant 0 : i32
    %scan3A_13 = arith.constant 0 : i32
    %scan3A_14 = arith.constant 79 : i32
    %scan3A_15 = arith.addi %scan3A_13, %scan3A_14 : i32
    %scan3A_16 = arith.constant 1 : i32
    scf.for %scan3A_25 = %scan3A_13 to %scan3A_15 step %scan3A_16  : i32 {
      %dma_start3A = arith.constant 0 : i32
      %dma_start3A_26 = tpu.memref_slice %arg6[%scan3A_25, %dma_start3A] : memref<79x128xi32, #tpu.memory_space<vmem>> -> memref<1x128xi32, #tpu.memory_space<vmem>>
      %dma_start3A_27 = tpu.memref_squeeze %dma_start3A_26 : memref<1x128xi32, #tpu.memory_space<vmem>> -> memref<128xi32, #tpu.memory_space<vmem>>
      %dma_start3A_28 = arith.constant 0 : i32
      %dma_start3A_29 = arith.constant 0 : i32
      %dma_start3A_30 = tpu.memref_slice %arg2[%dma_start3A_28, %dma_start3A_29] : memref<10240x128xf32, #tpu.memory_space<hbm>> -> memref<10240x128xf32, #tpu.memory_space<hbm>>
      tpu.enqueue_indirect_dma source(%dma_start3A_30 : memref<10240x128xf32, #tpu.memory_space<hbm>>) target(%arg8 : memref<128x128xf32, #tpu.memory_space<vmem>>) offsets(%dma_start3A_27 : memref<128xi32, #tpu.memory_space<vmem>>) semaphore(%arg11 : memref<!tpu.dma_semaphore, #tpu.memory_space<semaphore_mem>>)
      %dma_wait3A = arith.constant 0 : i32
      %dma_wait3A_31 = tpu.memref_slice %arg6[%scan3A_25, %dma_wait3A] : memref<79x128xi32, #tpu.memory_space<vmem>> -> memref<1x128xi32, #tpu.memory_space<vmem>>
      %dma_wait3A_32 = tpu.memref_squeeze %dma_wait3A_31 : memref<1x128xi32, #tpu.memory_space<vmem>> -> memref<128xi32, #tpu.memory_space<vmem>>
      %dma_wait3A_33 = arith.constant 0 : i32
      %dma_wait3A_34 = arith.constant 0 : i32
      %dma_wait3A_35 = tpu.memref_slice %arg2[%dma_wait3A_33, %dma_wait3A_34] : memref<10240x128xf32, #tpu.memory_space<hbm>> -> memref<10240x128xf32, #tpu.memory_space<hbm>>
      tpu.wait_indirect_dma semaphore(%arg11 : memref<!tpu.dma_semaphore, #tpu.memory_space<semaphore_mem>>) src(%dma_wait3A_35 : memref<10240x128xf32, #tpu.memory_space<hbm>>) dst(%arg8 : memref<128x128xf32, #tpu.memory_space<vmem>>)
      "tpu.region"() ({
        %run_scoped3A = tpu.sem_alloc : memref<!tpu.dma_semaphore, #tpu.memory_space<semaphore_mem>>
        %dma_start3A_36 = arith.constant 0 : i32
        %dma_start3A_37 = tpu.memref_slice %arg7[%scan3A_25, %dma_start3A_36] : memref<79x128xi32, #tpu.memory_space<vmem>> -> memref<1x128xi32, #tpu.memory_space<vmem>>
        %dma_start3A_38 = tpu.memref_squeeze %dma_start3A_37 : memref<1x128xi32, #tpu.memory_space<vmem>> -> memref<128xi32, #tpu.memory_space<vmem>>
        %dma_start3A_39 = arith.constant 0 : i32
        %dma_start3A_40 = arith.constant 0 : i32
        %dma_start3A_41 = tpu.memref_slice %arg10[%dma_start3A_39, %dma_start3A_40] : memref<10240x128xf32, #tpu.memory_space<vmem_shared>> -> memref<10240x128xf32, #tpu.memory_space<vmem_shared>>
        tpu.enqueue_indirect_dma source(%arg8 : memref<128x128xf32, #tpu.memory_space<vmem>>) target(%dma_start3A_41 : memref<10240x128xf32, #tpu.memory_space<vmem_shared>>) offsets(%dma_start3A_38 : memref<128xi32, #tpu.memory_space<vmem>>) semaphore(%run_scoped3A : memref<!tpu.dma_semaphore, #tpu.memory_space<semaphore_mem>>) {add = true}
        %dma_wait3A_42 = arith.constant 0 : i32
        %dma_wait3A_43 = tpu.memref_slice %arg7[%scan3A_25, %dma_wait3A_42] : memref<79x128xi32, #tpu.memory_space<vmem>> -> memref<1x128xi32, #tpu.memory_space<vmem>>
        %dma_wait3A_44 = tpu.memref_squeeze %dma_wait3A_43 : memref<1x128xi32, #tpu.memory_space<vmem>> -> memref<128xi32, #tpu.memory_space<vmem>>
        %dma_wait3A_45 = arith.constant 0 : i32
        %dma_wait3A_46 = arith.constant 0 : i32
        %dma_wait3A_47 = tpu.memref_slice %arg10[%dma_wait3A_45, %dma_wait3A_46] : memref<10240x128xf32, #tpu.memory_space<vmem_shared>> -> memref<10240x128xf32, #tpu.memory_space<vmem_shared>>
        tpu.wait_indirect_dma semaphore(%run_scoped3A : memref<!tpu.dma_semaphore, #tpu.memory_space<semaphore_mem>>) src(%arg8 : memref<128x128xf32, #tpu.memory_space<vmem>>) dst(%dma_wait3A_47 : memref<10240x128xf32, #tpu.memory_space<vmem_shared>>)
        tpu.yield
      }) : () -> ()
    }
    %scan3A_17 = arith.constant 79 : i32
    %barrier3A_18 = arith.constant 0 : index
    tpu.barrier barrier_id(%barrier3A_18)
    %scan3A_19 = arith.constant 0 : i32
    %scan3A_20 = arith.constant 0 : i32
    %scan3A_21 = arith.constant 10 : i32
    %scan3A_22 = arith.addi %scan3A_20, %scan3A_21 : i32
    %scan3A_23 = arith.constant 1 : i32
    scf.for %scan3A_25 = %scan3A_20 to %scan3A_22 step %scan3A_23  : i32 {
      %mul3A_26 = arith.constant 640 : i32
      %mul3A_27 = arith.muli %arg1, %mul3A_26 : i32
      %mul3A_28 = arith.constant 64 : i32
      %mul3A_29 = arith.muli %scan3A_25, %mul3A_28 : i32
      %add3A_30 = arith.addi %mul3A_27, %mul3A_29 : i32
      "tpu.region"() ({
        %run_scoped3A = tpu.sem_alloc : memref<!tpu.dma_semaphore, #tpu.memory_space<semaphore_mem>>
        %dma_start3A = arith.constant 0 : i32
        %dma_start3A_36 = tpu.memref_slice %arg10[%add3A_30, %dma_start3A] : memref<10240x128xf32, #tpu.memory_space<vmem_shared>> -> memref<64x128xf32, #tpu.memory_space<vmem_shared>>
        %dma_start3A_37 = arith.constant 0 : i32
        %dma_start3A_38 = tpu.memref_slice %arg10[%add3A_30, %dma_start3A_37] : memref<10240x128xf32, #tpu.memory_space<vmem_shared>> -> memref<64x128xf32, #tpu.memory_space<vmem_shared>>
        tpu.enqueue_dma source(%dma_start3A_38 : memref<64x128xf32, #tpu.memory_space<vmem_shared>>) target(%arg9 : memref<64x128xf32, #tpu.memory_space<vmem>>) target_semaphore(%run_scoped3A : memref<!tpu.dma_semaphore, #tpu.memory_space<semaphore_mem>>)
        %dma_wait3A = arith.constant 0 : i32
        %dma_wait3A_39 = tpu.memref_slice %arg10[%add3A_30, %dma_wait3A] : memref<10240x128xf32, #tpu.memory_space<vmem_shared>> -> memref<64x128xf32, #tpu.memory_space<vmem_shared>>
        %dma_wait3A_40 = arith.constant 0 : i32
        %dma_wait3A_41 = tpu.memref_slice %arg10[%add3A_30, %dma_wait3A_40] : memref<10240x128xf32, #tpu.memory_space<vmem_shared>> -> memref<64x128xf32, #tpu.memory_space<vmem_shared>>
        tpu.wait_dma2 semaphore(%run_scoped3A : memref<!tpu.dma_semaphore, #tpu.memory_space<semaphore_mem>>) src(%dma_wait3A_41 : memref<64x128xf32, #tpu.memory_space<vmem_shared>>) dst(%arg9 : memref<64x128xf32, #tpu.memory_space<vmem>>)
        tpu.yield
      }) : () -> ()
      %mul3A_31 = arith.constant 640 : i32
      %mul3A_32 = arith.muli %arg1, %mul3A_31 : i32
      %mul3A_33 = arith.constant 64 : i32
      %mul3A_34 = arith.muli %scan3A_25, %mul3A_33 : i32
      %add3A_35 = arith.addi %mul3A_32, %mul3A_34 : i32
      "tpu.region"() ({
        %run_scoped3A = tpu.sem_alloc : memref<!tpu.dma_semaphore, #tpu.memory_space<semaphore_mem>>
        %dma_start3A = arith.constant 0 : i32
        %dma_start3A_36 = tpu.memref_slice %arg5[%arg0, %add3A_35, %dma_start3A] : memref<2x10240x128xf32, #tpu.memory_space<hbm>> -> memref<1x64x128xf32, #tpu.memory_space<hbm>>
        %dma_start3A_37 = tpu.memref_squeeze %dma_start3A_36 : memref<1x64x128xf32, #tpu.memory_space<hbm>> -> memref<64x128xf32, #tpu.memory_space<hbm>>
        %dma_start3A_38 = arith.constant 0 : i32
        %dma_start3A_39 = tpu.memref_slice %arg5[%arg0, %add3A_35, %dma_start3A_38] : memref<2x10240x128xf32, #tpu.memory_space<hbm>> -> memref<1x64x128xf32, #tpu.memory_space<hbm>>
        %dma_start3A_40 = tpu.memref_squeeze %dma_start3A_39 : memref<1x64x128xf32, #tpu.memory_space<hbm>> -> memref<64x128xf32, #tpu.memory_space<hbm>>
        tpu.enqueue_dma source(%arg9 : memref<64x128xf32, #tpu.memory_space<vmem>>) target(%dma_start3A_40 : memref<64x128xf32, #tpu.memory_space<hbm>>) target_semaphore(%run_scoped3A : memref<!tpu.dma_semaphore, #tpu.memory_space<semaphore_mem>>)
        %dma_wait3A = arith.constant 0 : i32
        %dma_wait3A_41 = tpu.memref_slice %arg5[%arg0, %add3A_35, %dma_wait3A] : memref<2x10240x128xf32, #tpu.memory_space<hbm>> -> memref<1x64x128xf32, #tpu.memory_space<hbm>>
        %dma_wait3A_42 = tpu.memref_squeeze %dma_wait3A_41 : memref<1x64x128xf32, #tpu.memory_space<hbm>> -> memref<64x128xf32, #tpu.memory_space<hbm>>
        %dma_wait3A_43 = arith.constant 0 : i32
        %dma_wait3A_44 = tpu.memref_slice %arg5[%arg0, %add3A_35, %dma_wait3A_43] : memref<2x10240x128xf32, #tpu.memory_space<hbm>> -> memref<1x64x128xf32, #tpu.memory_space<hbm>>
        %dma_wait3A_45 = tpu.memref_squeeze %dma_wait3A_44 : memref<1x64x128xf32, #tpu.memory_space<hbm>> -> memref<64x128xf32, #tpu.memory_space<hbm>>
        tpu.wait_dma2 semaphore(%run_scoped3A : memref<!tpu.dma_semaphore, #tpu.memory_space<semaphore_mem>>) src(%arg9 : memref<64x128xf32, #tpu.memory_space<vmem>>) dst(%dma_wait3A_45 : memref<64x128xf32, #tpu.memory_space<hbm>>)
        tpu.yield
      }) : () -> ()
    }
    %scan3A_24 = arith.constant 10 : i32
    return
  }
}

#map = affine_map<(d0, d1) -> (0, 0, 0)>
module attributes {stable_mosaic.version = 14 : i64} {
  func.func @_hist(%arg0: i32, %arg1: i32, %arg2: memref<32x79x128xi32, #tpu.memory_space<hbm>>, %arg3: memref<32x79x128xi32, #tpu.memory_space<hbm>>, %arg4: memref<2x2x10240xf32, #tpu.memory_space<hbm>>, %arg5: memref<79x128xi32, #tpu.memory_space<vmem>>, %arg6: memref<79x128xi32, #tpu.memory_space<vmem>>, %arg7: memref<128xf32, #tpu.memory_space<vmem>>, %arg8: memref<640xf32, #tpu.memory_space<vmem>>, %arg9: memref<10240xf32, #tpu.memory_space<vmem_shared>>, %arg10: memref<10240xf32, #tpu.memory_space<vmem_shared>>) attributes {dimension_semantics = [#tpu.dimension_semantics<core_parallel>, #tpu.dimension_semantics<subcore_parallel>], iteration_bounds = array<i64: 2, 16>, scalar_prefetch = 0 : i64, scratch_operands = 6 : i64, tpu.core_type = #tpu.core_type<sc_vector_subcore>, window_params = [{transform_indices = #map}, {transform_indices = #map}, {transform_indices = #map}]} {
    %mul3A = arith.constant 2 : i32
    %mul3A_0 = arith.muli %arg1, %mul3A : i32
    %add3A = arith.addi %mul3A_0, %arg0 : i32
    %scan3A = arith.constant 0 : i32
    %scan3A_1 = arith.constant 0 : i32
    %scan3A_2 = arith.constant 8 : i32
    %scan3A_3 = arith.addi %scan3A_1, %scan3A_2 : i32
    %scan3A_4 = arith.constant 1 : i32
    scf.for %scan3A_32 = %scan3A_1 to %scan3A_3 step %scan3A_4  : i32 {
      %broadcast_in_dim3A = arith.constant 1.000000e+00 : f32
      %broadcast_in_dim3A_33 = vector.broadcast %broadcast_in_dim3A : f32 to vector<16xf32>
      %mul3A_34 = arith.constant 16 : i32
      %mul3A_35 = arith.muli %scan3A_32, %mul3A_34 : i32
      %swap3A = arith.index_cast %mul3A_35 : i32 to index
      %swap3A_36 = tpu.vector_load %arg7[%swap3A] {strides = array<i32>} : memref<128xf32, #tpu.memory_space<vmem>>, vector<16xf32>,
      %swap3A_37 = vector.shape_cast %swap3A_36 : vector<16xf32> to vector<16xf32>
      %swap3A_38 = vector.shape_cast %broadcast_in_dim3A_33 : vector<16xf32> to vector<16xf32>
      tpu.vector_store %arg7[%swap3A], %swap3A_38 {strides = array<i32>} : memref<128xf32, #tpu.memory_space<vmem>>, vector<16xf32>,
    }
    %scan3A_5 = arith.constant 8 : i32
    %scan3A_6 = arith.constant 0 : i32
    %scan3A_7 = arith.constant 0 : i32
    %scan3A_8 = arith.constant 40 : i32
    %scan3A_9 = arith.addi %scan3A_7, %scan3A_8 : i32
    %scan3A_10 = arith.constant 1 : i32
    scf.for %scan3A_32 = %scan3A_7 to %scan3A_9 step %scan3A_10  : i32 {
      %broadcast_in_dim3A = arith.constant 0.000000e+00 : f32
      %broadcast_in_dim3A_33 = vector.broadcast %broadcast_in_dim3A : f32 to vector<16xf32>
      %mul3A_34 = arith.constant 16 : i32
      %mul3A_35 = arith.muli %scan3A_32, %mul3A_34 : i32
      %swap3A = arith.index_cast %mul3A_35 : i32 to index
      %swap3A_36 = tpu.vector_load %arg8[%swap3A] {strides = array<i32>} : memref<640xf32, #tpu.memory_space<vmem>>, vector<16xf32>,
      %swap3A_37 = vector.shape_cast %swap3A_36 : vector<16xf32> to vector<16xf32>
      %swap3A_38 = vector.shape_cast %broadcast_in_dim3A_33 : vector<16xf32> to vector<16xf32>
      tpu.vector_store %arg8[%swap3A], %swap3A_38 {strides = array<i32>} : memref<640xf32, #tpu.memory_space<vmem>>, vector<16xf32>,
    }
    %scan3A_11 = arith.constant 40 : i32
    %mul3A_12 = arith.constant 640 : i32
    %mul3A_13 = arith.muli %arg1, %mul3A_12 : i32
    "tpu.region"() ({
      %run_scoped3A_32 = tpu.sem_alloc : memref<!tpu.dma_semaphore, #tpu.memory_space<semaphore_mem>>
      %dma_start3A = tpu.memref_slice %arg9[%mul3A_13] : memref<10240xf32, #tpu.memory_space<vmem_shared>> -> memref<640xf32, #tpu.memory_space<vmem_shared>>
      %dma_start3A_33 = tpu.memref_slice %arg9[%mul3A_13] : memref<10240xf32, #tpu.memory_space<vmem_shared>> -> memref<640xf32, #tpu.memory_space<vmem_shared>>
      tpu.enqueue_dma source(%arg8 : memref<640xf32, #tpu.memory_space<vmem>>) target(%dma_start3A_33 : memref<640xf32, #tpu.memory_space<vmem_shared>>) target_semaphore(%run_scoped3A_32 : memref<!tpu.dma_semaphore, #tpu.memory_space<semaphore_mem>>)
      %dma_wait3A = tpu.memref_slice %arg9[%mul3A_13] : memref<10240xf32, #tpu.memory_space<vmem_shared>> -> memref<640xf32, #tpu.memory_space<vmem_shared>>
      %dma_wait3A_34 = tpu.memref_slice %arg9[%mul3A_13] : memref<10240xf32, #tpu.memory_space<vmem_shared>> -> memref<640xf32, #tpu.memory_space<vmem_shared>>
      tpu.wait_dma2 semaphore(%run_scoped3A_32 : memref<!tpu.dma_semaphore, #tpu.memory_space<semaphore_mem>>) src(%arg8 : memref<640xf32, #tpu.memory_space<vmem>>) dst(%dma_wait3A_34 : memref<640xf32, #tpu.memory_space<vmem_shared>>)
      tpu.yield
    }) : () -> ()
    %mul3A_14 = arith.constant 640 : i32
    %mul3A_15 = arith.muli %arg1, %mul3A_14 : i32
    "tpu.region"() ({
      %run_scoped3A_32 = tpu.sem_alloc : memref<!tpu.dma_semaphore, #tpu.memory_space<semaphore_mem>>
      %dma_start3A = tpu.memref_slice %arg10[%mul3A_15] : memref<10240xf32, #tpu.memory_space<vmem_shared>> -> memref<640xf32, #tpu.memory_space<vmem_shared>>
      %dma_start3A_33 = tpu.memref_slice %arg10[%mul3A_15] : memref<10240xf32, #tpu.memory_space<vmem_shared>> -> memref<640xf32, #tpu.memory_space<vmem_shared>>
      tpu.enqueue_dma source(%arg8 : memref<640xf32, #tpu.memory_space<vmem>>) target(%dma_start3A_33 : memref<640xf32, #tpu.memory_space<vmem_shared>>) target_semaphore(%run_scoped3A_32 : memref<!tpu.dma_semaphore, #tpu.memory_space<semaphore_mem>>)
      %dma_wait3A = tpu.memref_slice %arg10[%mul3A_15] : memref<10240xf32, #tpu.memory_space<vmem_shared>> -> memref<640xf32, #tpu.memory_space<vmem_shared>>
      %dma_wait3A_34 = tpu.memref_slice %arg10[%mul3A_15] : memref<10240xf32, #tpu.memory_space<vmem_shared>> -> memref<640xf32, #tpu.memory_space<vmem_shared>>
      tpu.wait_dma2 semaphore(%run_scoped3A_32 : memref<!tpu.dma_semaphore, #tpu.memory_space<semaphore_mem>>) src(%arg8 : memref<640xf32, #tpu.memory_space<vmem>>) dst(%dma_wait3A_34 : memref<640xf32, #tpu.memory_space<vmem_shared>>)
      tpu.yield
    }) : () -> ()
    %barrier3A = arith.constant 0 : index
    tpu.barrier barrier_id(%barrier3A)
    "tpu.region"() ({
      %run_scoped3A_32 = tpu.sem_alloc : memref<!tpu.dma_semaphore, #tpu.memory_space<semaphore_mem>>
      %dma_start3A = arith.constant 0 : i32
      %dma_start3A_33 = arith.constant 0 : i32
      %dma_start3A_34 = tpu.memref_slice %arg2[%add3A, %dma_start3A, %dma_start3A_33] : memref<32x79x128xi32, #tpu.memory_space<hbm>> -> memref<1x79x128xi32, #tpu.memory_space<hbm>>
      %dma_start3A_35 = tpu.memref_squeeze %dma_start3A_34 : memref<1x79x128xi32, #tpu.memory_space<hbm>> -> memref<79x128xi32, #tpu.memory_space<hbm>>
      %dma_start3A_36 = arith.constant 0 : i32
      %dma_start3A_37 = arith.constant 0 : i32
      %dma_start3A_38 = tpu.memref_slice %arg2[%add3A, %dma_start3A_36, %dma_start3A_37] : memref<32x79x128xi32, #tpu.memory_space<hbm>> -> memref<1x79x128xi32, #tpu.memory_space<hbm>>
      %dma_start3A_39 = tpu.memref_squeeze %dma_start3A_38 : memref<1x79x128xi32, #tpu.memory_space<hbm>> -> memref<79x128xi32, #tpu.memory_space<hbm>>
      tpu.enqueue_dma source(%dma_start3A_39 : memref<79x128xi32, #tpu.memory_space<hbm>>) target(%arg5 : memref<79x128xi32, #tpu.memory_space<vmem>>) target_semaphore(%run_scoped3A_32 : memref<!tpu.dma_semaphore, #tpu.memory_space<semaphore_mem>>)
      %dma_wait3A = arith.constant 0 : i32
      %dma_wait3A_40 = arith.constant 0 : i32
      %dma_wait3A_41 = tpu.memref_slice %arg2[%add3A, %dma_wait3A, %dma_wait3A_40] : memref<32x79x128xi32, #tpu.memory_space<hbm>> -> memref<1x79x128xi32, #tpu.memory_space<hbm>>
      %dma_wait3A_42 = tpu.memref_squeeze %dma_wait3A_41 : memref<1x79x128xi32, #tpu.memory_space<hbm>> -> memref<79x128xi32, #tpu.memory_space<hbm>>
      %dma_wait3A_43 = arith.constant 0 : i32
      %dma_wait3A_44 = arith.constant 0 : i32
      %dma_wait3A_45 = tpu.memref_slice %arg2[%add3A, %dma_wait3A_43, %dma_wait3A_44] : memref<32x79x128xi32, #tpu.memory_space<hbm>> -> memref<1x79x128xi32, #tpu.memory_space<hbm>>
      %dma_wait3A_46 = tpu.memref_squeeze %dma_wait3A_45 : memref<1x79x128xi32, #tpu.memory_space<hbm>> -> memref<79x128xi32, #tpu.memory_space<hbm>>
      tpu.wait_dma2 semaphore(%run_scoped3A_32 : memref<!tpu.dma_semaphore, #tpu.memory_space<semaphore_mem>>) src(%dma_wait3A_46 : memref<79x128xi32, #tpu.memory_space<hbm>>) dst(%arg5 : memref<79x128xi32, #tpu.memory_space<vmem>>)
      tpu.yield
    }) : () -> ()
    "tpu.region"() ({
      %run_scoped3A_32 = tpu.sem_alloc : memref<!tpu.dma_semaphore, #tpu.memory_space<semaphore_mem>>
      %dma_start3A = arith.constant 0 : i32
      %dma_start3A_33 = arith.constant 0 : i32
      %dma_start3A_34 = tpu.memref_slice %arg3[%add3A, %dma_start3A, %dma_start3A_33] : memref<32x79x128xi32, #tpu.memory_space<hbm>> -> memref<1x79x128xi32, #tpu.memory_space<hbm>>
      %dma_start3A_35 = tpu.memref_squeeze %dma_start3A_34 : memref<1x79x128xi32, #tpu.memory_space<hbm>> -> memref<79x128xi32, #tpu.memory_space<hbm>>
      %dma_start3A_36 = arith.constant 0 : i32
      %dma_start3A_37 = arith.constant 0 : i32
      %dma_start3A_38 = tpu.memref_slice %arg3[%add3A, %dma_start3A_36, %dma_start3A_37] : memref<32x79x128xi32, #tpu.memory_space<hbm>> -> memref<1x79x128xi32, #tpu.memory_space<hbm>>
      %dma_start3A_39 = tpu.memref_squeeze %dma_start3A_38 : memref<1x79x128xi32, #tpu.memory_space<hbm>> -> memref<79x128xi32, #tpu.memory_space<hbm>>
      tpu.enqueue_dma source(%dma_start3A_39 : memref<79x128xi32, #tpu.memory_space<hbm>>) target(%arg6 : memref<79x128xi32, #tpu.memory_space<vmem>>) target_semaphore(%run_scoped3A_32 : memref<!tpu.dma_semaphore, #tpu.memory_space<semaphore_mem>>)
      %dma_wait3A = arith.constant 0 : i32
      %dma_wait3A_40 = arith.constant 0 : i32
      %dma_wait3A_41 = tpu.memref_slice %arg3[%add3A, %dma_wait3A, %dma_wait3A_40] : memref<32x79x128xi32, #tpu.memory_space<hbm>> -> memref<1x79x128xi32, #tpu.memory_space<hbm>>
      %dma_wait3A_42 = tpu.memref_squeeze %dma_wait3A_41 : memref<1x79x128xi32, #tpu.memory_space<hbm>> -> memref<79x128xi32, #tpu.memory_space<hbm>>
      %dma_wait3A_43 = arith.constant 0 : i32
      %dma_wait3A_44 = arith.constant 0 : i32
      %dma_wait3A_45 = tpu.memref_slice %arg3[%add3A, %dma_wait3A_43, %dma_wait3A_44] : memref<32x79x128xi32, #tpu.memory_space<hbm>> -> memref<1x79x128xi32, #tpu.memory_space<hbm>>
      %dma_wait3A_46 = tpu.memref_squeeze %dma_wait3A_45 : memref<1x79x128xi32, #tpu.memory_space<hbm>> -> memref<79x128xi32, #tpu.memory_space<hbm>>
      tpu.wait_dma2 semaphore(%run_scoped3A_32 : memref<!tpu.dma_semaphore, #tpu.memory_space<semaphore_mem>>) src(%dma_wait3A_46 : memref<79x128xi32, #tpu.memory_space<hbm>>) dst(%arg6 : memref<79x128xi32, #tpu.memory_space<vmem>>)
      tpu.yield
    }) : () -> ()
    %scan3A_16 = arith.constant 0 : i32
    %scan3A_17 = arith.constant 0 : i32
    %scan3A_18 = arith.constant 79 : i32
    %scan3A_19 = arith.addi %scan3A_17, %scan3A_18 : i32
    %scan3A_20 = arith.constant 1 : i32
    scf.for %scan3A_32 = %scan3A_17 to %scan3A_19 step %scan3A_20  : i32 {
      "tpu.region"() ({
        %run_scoped3A_33 = tpu.sem_alloc : memref<!tpu.dma_semaphore, #tpu.memory_space<semaphore_mem>>
        %dma_start3A = arith.constant 0 : i32
        %dma_start3A_34 = tpu.memref_slice %arg5[%scan3A_32, %dma_start3A] : memref<79x128xi32, #tpu.memory_space<vmem>> -> memref<1x128xi32, #tpu.memory_space<vmem>>
        %dma_start3A_35 = tpu.memref_squeeze %dma_start3A_34 : memref<1x128xi32, #tpu.memory_space<vmem>> -> memref<128xi32, #tpu.memory_space<vmem>>
        %dma_start3A_36 = arith.constant 0 : i32
        %dma_start3A_37 = tpu.memref_slice %arg9[%dma_start3A_36] : memref<10240xf32, #tpu.memory_space<vmem_shared>> -> memref<10240xf32, #tpu.memory_space<vmem_shared>>
        tpu.enqueue_indirect_dma source(%arg7 : memref<128xf32, #tpu.memory_space<vmem>>) target(%dma_start3A_37 : memref<10240xf32, #tpu.memory_space<vmem_shared>>) offsets(%dma_start3A_35 : memref<128xi32, #tpu.memory_space<vmem>>) semaphore(%run_scoped3A_33 : memref<!tpu.dma_semaphore, #tpu.memory_space<semaphore_mem>>) {add = true}
        %dma_wait3A = arith.constant 0 : i32
        %dma_wait3A_38 = tpu.memref_slice %arg5[%scan3A_32, %dma_wait3A] : memref<79x128xi32, #tpu.memory_space<vmem>> -> memref<1x128xi32, #tpu.memory_space<vmem>>
        %dma_wait3A_39 = tpu.memref_squeeze %dma_wait3A_38 : memref<1x128xi32, #tpu.memory_space<vmem>> -> memref<128xi32, #tpu.memory_space<vmem>>
        %dma_wait3A_40 = arith.constant 0 : i32
        %dma_wait3A_41 = tpu.memref_slice %arg9[%dma_wait3A_40] : memref<10240xf32, #tpu.memory_space<vmem_shared>> -> memref<10240xf32, #tpu.memory_space<vmem_shared>>
        tpu.wait_indirect_dma semaphore(%run_scoped3A_33 : memref<!tpu.dma_semaphore, #tpu.memory_space<semaphore_mem>>) src(%arg7 : memref<128xf32, #tpu.memory_space<vmem>>) dst(%dma_wait3A_41 : memref<10240xf32, #tpu.memory_space<vmem_shared>>)
        tpu.yield
      }) : () -> ()
      "tpu.region"() ({
        %run_scoped3A_33 = tpu.sem_alloc : memref<!tpu.dma_semaphore, #tpu.memory_space<semaphore_mem>>
        %dma_start3A = arith.constant 0 : i32
        %dma_start3A_34 = tpu.memref_slice %arg6[%scan3A_32, %dma_start3A] : memref<79x128xi32, #tpu.memory_space<vmem>> -> memref<1x128xi32, #tpu.memory_space<vmem>>
        %dma_start3A_35 = tpu.memref_squeeze %dma_start3A_34 : memref<1x128xi32, #tpu.memory_space<vmem>> -> memref<128xi32, #tpu.memory_space<vmem>>
        %dma_start3A_36 = arith.constant 0 : i32
        %dma_start3A_37 = tpu.memref_slice %arg10[%dma_start3A_36] : memref<10240xf32, #tpu.memory_space<vmem_shared>> -> memref<10240xf32, #tpu.memory_space<vmem_shared>>
        tpu.enqueue_indirect_dma source(%arg7 : memref<128xf32, #tpu.memory_space<vmem>>) target(%dma_start3A_37 : memref<10240xf32, #tpu.memory_space<vmem_shared>>) offsets(%dma_start3A_35 : memref<128xi32, #tpu.memory_space<vmem>>) semaphore(%run_scoped3A_33 : memref<!tpu.dma_semaphore, #tpu.memory_space<semaphore_mem>>) {add = true}
        %dma_wait3A = arith.constant 0 : i32
        %dma_wait3A_38 = tpu.memref_slice %arg6[%scan3A_32, %dma_wait3A] : memref<79x128xi32, #tpu.memory_space<vmem>> -> memref<1x128xi32, #tpu.memory_space<vmem>>
        %dma_wait3A_39 = tpu.memref_squeeze %dma_wait3A_38 : memref<1x128xi32, #tpu.memory_space<vmem>> -> memref<128xi32, #tpu.memory_space<vmem>>
        %dma_wait3A_40 = arith.constant 0 : i32
        %dma_wait3A_41 = tpu.memref_slice %arg10[%dma_wait3A_40] : memref<10240xf32, #tpu.memory_space<vmem_shared>> -> memref<10240xf32, #tpu.memory_space<vmem_shared>>
        tpu.wait_indirect_dma semaphore(%run_scoped3A_33 : memref<!tpu.dma_semaphore, #tpu.memory_space<semaphore_mem>>) src(%arg7 : memref<128xf32, #tpu.memory_space<vmem>>) dst(%dma_wait3A_41 : memref<10240xf32, #tpu.memory_space<vmem_shared>>)
        tpu.yield
      }) : () -> ()
    }
    %scan3A_21 = arith.constant 79 : i32
    %barrier3A_22 = arith.constant 0 : index
    tpu.barrier barrier_id(%barrier3A_22)
    %mul3A_23 = arith.constant 640 : i32
    %mul3A_24 = arith.muli %arg1, %mul3A_23 : i32
    "tpu.region"() ({
      %run_scoped3A_32 = tpu.sem_alloc : memref<!tpu.dma_semaphore, #tpu.memory_space<semaphore_mem>>
      %dma_start3A = tpu.memref_slice %arg9[%mul3A_24] : memref<10240xf32, #tpu.memory_space<vmem_shared>> -> memref<640xf32, #tpu.memory_space<vmem_shared>>
      %dma_start3A_33 = tpu.memref_slice %arg9[%mul3A_24] : memref<10240xf32, #tpu.memory_space<vmem_shared>> -> memref<640xf32, #tpu.memory_space<vmem_shared>>
      tpu.enqueue_dma source(%dma_start3A_33 : memref<640xf32, #tpu.memory_space<vmem_shared>>) target(%arg8 : memref<640xf32, #tpu.memory_space<vmem>>) target_semaphore(%run_scoped3A_32 : memref<!tpu.dma_semaphore, #tpu.memory_space<semaphore_mem>>)
      %dma_wait3A = tpu.memref_slice %arg9[%mul3A_24] : memref<10240xf32, #tpu.memory_space<vmem_shared>> -> memref<640xf32, #tpu.memory_space<vmem_shared>>
      %dma_wait3A_34 = tpu.memref_slice %arg9[%mul3A_24] : memref<10240xf32, #tpu.memory_space<vmem_shared>> -> memref<640xf32, #tpu.memory_space<vmem_shared>>
      tpu.wait_dma2 semaphore(%run_scoped3A_32 : memref<!tpu.dma_semaphore, #tpu.memory_space<semaphore_mem>>) src(%dma_wait3A_34 : memref<640xf32, #tpu.memory_space<vmem_shared>>) dst(%arg8 : memref<640xf32, #tpu.memory_space<vmem>>)
      tpu.yield
    }) : () -> ()
    %mul3A_25 = arith.constant 640 : i32
    %mul3A_26 = arith.muli %arg1, %mul3A_25 : i32
    %run_scoped3A = arith.constant 0 : i32
    "tpu.region"() ({
      %run_scoped3A_32 = tpu.sem_alloc : memref<!tpu.dma_semaphore, #tpu.memory_space<semaphore_mem>>
      %dma_start3A = tpu.memref_slice %arg4[%arg0, %run_scoped3A, %mul3A_26] : memref<2x2x10240xf32, #tpu.memory_space<hbm>> -> memref<1x1x640xf32, #tpu.memory_space<hbm>>
      %dma_start3A_33 = tpu.memref_squeeze %dma_start3A : memref<1x1x640xf32, #tpu.memory_space<hbm>> -> memref<640xf32, #tpu.memory_space<hbm>>
      %dma_start3A_34 = tpu.memref_slice %arg4[%arg0, %run_scoped3A, %mul3A_26] : memref<2x2x10240xf32, #tpu.memory_space<hbm>> -> memref<1x1x640xf32, #tpu.memory_space<hbm>>
      %dma_start3A_35 = tpu.memref_squeeze %dma_start3A_34 : memref<1x1x640xf32, #tpu.memory_space<hbm>> -> memref<640xf32, #tpu.memory_space<hbm>>
      tpu.enqueue_dma source(%arg8 : memref<640xf32, #tpu.memory_space<vmem>>) target(%dma_start3A_35 : memref<640xf32, #tpu.memory_space<hbm>>) target_semaphore(%run_scoped3A_32 : memref<!tpu.dma_semaphore, #tpu.memory_space<semaphore_mem>>)
      %dma_wait3A = tpu.memref_slice %arg4[%arg0, %run_scoped3A, %mul3A_26] : memref<2x2x10240xf32, #tpu.memory_space<hbm>> -> memref<1x1x640xf32, #tpu.memory_space<hbm>>
      %dma_wait3A_36 = tpu.memref_squeeze %dma_wait3A : memref<1x1x640xf32, #tpu.memory_space<hbm>> -> memref<640xf32, #tpu.memory_space<hbm>>
      %dma_wait3A_37 = tpu.memref_slice %arg4[%arg0, %run_scoped3A, %mul3A_26] : memref<2x2x10240xf32, #tpu.memory_space<hbm>> -> memref<1x1x640xf32, #tpu.memory_space<hbm>>
      %dma_wait3A_38 = tpu.memref_squeeze %dma_wait3A_37 : memref<1x1x640xf32, #tpu.memory_space<hbm>> -> memref<640xf32, #tpu.memory_space<hbm>>
      tpu.wait_dma2 semaphore(%run_scoped3A_32 : memref<!tpu.dma_semaphore, #tpu.memory_space<semaphore_mem>>) src(%arg8 : memref<640xf32, #tpu.memory_space<vmem>>) dst(%dma_wait3A_38 : memref<640xf32, #tpu.memory_space<hbm>>)
      tpu.yield
    }) : () -> ()
    %mul3A_27 = arith.constant 640 : i32
    %mul3A_28 = arith.muli %arg1, %mul3A_27 : i32
    "tpu.region"() ({
      %run_scoped3A_32 = tpu.sem_alloc : memref<!tpu.dma_semaphore, #tpu.memory_space<semaphore_mem>>
      %dma_start3A = tpu.memref_slice %arg10[%mul3A_28] : memref<10240xf32, #tpu.memory_space<vmem_shared>> -> memref<640xf32, #tpu.memory_space<vmem_shared>>
      %dma_start3A_33 = tpu.memref_slice %arg10[%mul3A_28] : memref<10240xf32, #tpu.memory_space<vmem_shared>> -> memref<640xf32, #tpu.memory_space<vmem_shared>>
      tpu.enqueue_dma source(%dma_start3A_33 : memref<640xf32, #tpu.memory_space<vmem_shared>>) target(%arg8 : memref<640xf32, #tpu.memory_space<vmem>>) target_semaphore(%run_scoped3A_32 : memref<!tpu.dma_semaphore, #tpu.memory_space<semaphore_mem>>)
      %dma_wait3A = tpu.memref_slice %arg10[%mul3A_28] : memref<10240xf32, #tpu.memory_space<vmem_shared>> -> memref<640xf32, #tpu.memory_space<vmem_shared>>
      %dma_wait3A_34 = tpu.memref_slice %arg10[%mul3A_28] : memref<10240xf32, #tpu.memory_space<vmem_shared>> -> memref<640xf32, #tpu.memory_space<vmem_shared>>
      tpu.wait_dma2 semaphore(%run_scoped3A_32 : memref<!tpu.dma_semaphore, #tpu.memory_space<semaphore_mem>>) src(%dma_wait3A_34 : memref<640xf32, #tpu.memory_space<vmem_shared>>) dst(%arg8 : memref<640xf32, #tpu.memory_space<vmem>>)
      tpu.yield
    }) : () -> ()
    %mul3A_29 = arith.constant 640 : i32
    %mul3A_30 = arith.muli %arg1, %mul3A_29 : i32
    %run_scoped3A_31 = arith.constant 1 : i32
    "tpu.region"() ({
      %run_scoped3A_32 = tpu.sem_alloc : memref<!tpu.dma_semaphore, #tpu.memory_space<semaphore_mem>>
      %dma_start3A = tpu.memref_slice %arg4[%arg0, %run_scoped3A_31, %mul3A_30] : memref<2x2x10240xf32, #tpu.memory_space<hbm>> -> memref<1x1x640xf32, #tpu.memory_space<hbm>>
      %dma_start3A_33 = tpu.memref_squeeze %dma_start3A : memref<1x1x640xf32, #tpu.memory_space<hbm>> -> memref<640xf32, #tpu.memory_space<hbm>>
      %dma_start3A_34 = tpu.memref_slice %arg4[%arg0, %run_scoped3A_31, %mul3A_30] : memref<2x2x10240xf32, #tpu.memory_space<hbm>> -> memref<1x1x640xf32, #tpu.memory_space<hbm>>
      %dma_start3A_35 = tpu.memref_squeeze %dma_start3A_34 : memref<1x1x640xf32, #tpu.memory_space<hbm>> -> memref<640xf32, #tpu.memory_space<hbm>>
      tpu.enqueue_dma source(%arg8 : memref<640xf32, #tpu.memory_space<vmem>>) target(%dma_start3A_35 : memref<640xf32, #tpu.memory_space<hbm>>) target_semaphore(%run_scoped3A_32 : memref<!tpu.dma_semaphore, #tpu.memory_space<semaphore_mem>>)
      %dma_wait3A = tpu.memref_slice %arg4[%arg0, %run_scoped3A_31, %mul3A_30] : memref<2x2x10240xf32, #tpu.memory_space<hbm>> -> memref<1x1x640xf32, #tpu.memory_space<hbm>>
      %dma_wait3A_36 = tpu.memref_squeeze %dma_wait3A : memref<1x1x640xf32, #tpu.memory_space<hbm>> -> memref<640xf32, #tpu.memory_space<hbm>>
      %dma_wait3A_37 = tpu.memref_slice %arg4[%arg0, %run_scoped3A_31, %mul3A_30] : memref<2x2x10240xf32, #tpu.memory_space<hbm>> -> memref<1x1x640xf32, #tpu.memory_space<hbm>>
      %dma_wait3A_38 = tpu.memref_squeeze %dma_wait3A_37 : memref<1x1x640xf32, #tpu.memory_space<hbm>> -> memref<640xf32, #tpu.memory_space<hbm>>
      tpu.wait_dma2 semaphore(%run_scoped3A_32 : memref<!tpu.dma_semaphore, #tpu.memory_space<semaphore_mem>>) src(%arg8 : memref<640xf32, #tpu.memory_space<vmem>>) dst(%dma_wait3A_38 : memref<640xf32, #tpu.memory_space<hbm>>)
      tpu.yield
    }) : () -> ()
    return
  }
}

module attributes {stable_mosaic.version = 14 : i64} {
  func.func @_finish_body(%arg0: memref<2x10240x128xf32, #tpu.memory_space<vmem>>, %arg1: memref<10240x1xf32, #tpu.memory_space<vmem>>, %arg2: memref<1x128xf32, #tpu.memory_space<vmem>>, %arg3: memref<10000x128xf32, #tpu.memory_space<vmem>>) attributes {dimension_semantics = [], scalar_prefetch = 0 : i64, scratch_operands = 0 : i64, tpu.core_type = #tpu.core_type<tc>} {
    %get3A = arith.constant 0 : index
    %get3A_0 = arith.constant 0 : index
    %get3A_1 = arith.constant 0 : index
    %get3A_2 = vector.load %arg0[%get3A, %get3A_0, %get3A_1] : memref<2x10240x128xf32, #tpu.memory_space<vmem>>, vector<1x10240x128xf32>
    %get3A_3 = vector.shape_cast %get3A_2 : vector<1x10240x128xf32> to vector<10240x128xf32>
    %get3A_4 = arith.constant 1 : index
    %get3A_5 = arith.constant 0 : index
    %get3A_6 = arith.constant 0 : index
    %get3A_7 = vector.load %arg0[%get3A_4, %get3A_5, %get3A_6] : memref<2x10240x128xf32, #tpu.memory_space<vmem>>, vector<1x10240x128xf32>
    %get3A_8 = vector.shape_cast %get3A_7 : vector<1x10240x128xf32> to vector<10240x128xf32>
    %add3A = arith.addf %get3A_3, %get3A_8 : vector<10240x128xf32>
    %slice3A = vector.extract_strided_slice %add3A {offsets = [0, 0], sizes = [10000, 128], strides = [1, 1]} : vector<10240x128xf32> to vector<10000x128xf32>
    %get3A_9 = arith.constant 0 : index
    %get3A_10 = arith.constant 0 : index
    %get3A_11 = vector.load %arg1[%get3A_9, %get3A_10] : memref<10240x1xf32, #tpu.memory_space<vmem>>, vector<10000x1xf32>
    %mul3A = vector.broadcast %get3A_11 : vector<10000x1xf32> to vector<10000x128xf32>
    %mul3A_12 = arith.mulf %slice3A, %mul3A : vector<10000x128xf32>
    %get3A_13 = arith.constant 0 : index
    %get3A_14 = arith.constant 0 : index
    %get3A_15 = vector.load %arg2[%get3A_13, %get3A_14] : memref<1x128xf32, #tpu.memory_space<vmem>>, vector<1x128xf32>
    %add3A_16 = vector.broadcast %get3A_15 : vector<1x128xf32> to vector<10000x128xf32>
    %add3A_17 = arith.addf %mul3A_12, %add3A_16 : vector<10000x128xf32>
    %swap3A = arith.constant 0 : index
    %swap3A_18 = arith.constant 0 : index
    %swap3A_19 = vector.load %arg3[%swap3A, %swap3A_18] : memref<10000x128xf32, #tpu.memory_space<vmem>>, vector<10000x128xf32>
    tpu.vector_store %arg3[%swap3A, %swap3A_18], %add3A_17 {strides = array<i32>} : memref<10000x128xf32, #tpu.memory_space<vmem>>, vector<10000x128xf32>,
    return
  }
}

module attributes {stable_mosaic.version = 14 : i64} {
  func.func @_prep_body(%arg0: memref<2x2x10240x1xf32, #tpu.memory_space<vmem>>, %arg1: memref<10240x128xf32, #tpu.memory_space<vmem>>, %arg2: memref<128x128xf32, #tpu.memory_space<vmem>>, %arg3: memref<10240x128xf32, #tpu.memory_space<vmem>>, %arg4: memref<10240x1xf32, #tpu.memory_space<vmem>>) attributes {dimension_semantics = [], scalar_prefetch = 0 : i64, scratch_operands = 0 : i64, tpu.core_type = #tpu.core_type<tc>} {
    %get3A = arith.constant 0 : index
    %get3A_0 = arith.constant 0 : index
    %get3A_1 = arith.constant 0 : index
    %get3A_2 = arith.constant 0 : index
    %get3A_3 = vector.load %arg0[%get3A, %get3A_0, %get3A_1, %get3A_2] : memref<2x2x10240x1xf32, #tpu.memory_space<vmem>>, vector<2x2x10240x1xf32>
    %slice3A = vector.extract_strided_slice %get3A_3 {offsets = [0, 0, 0, 0], sizes = [1, 1, 10240, 1], strides = [1, 1, 1, 1]} : vector<2x2x10240x1xf32> to vector<1x1x10240x1xf32>
    %squeeze3A = vector.shape_cast %slice3A : vector<1x1x10240x1xf32> to vector<10240x1xf32>
    %slice3A_4 = vector.extract_strided_slice %get3A_3 {offsets = [1, 0, 0, 0], sizes = [1, 1, 10240, 1], strides = [1, 1, 1, 1]} : vector<2x2x10240x1xf32> to vector<1x1x10240x1xf32>
    %squeeze3A_5 = vector.shape_cast %slice3A_4 : vector<1x1x10240x1xf32> to vector<10240x1xf32>
    %add3A = arith.addf %squeeze3A, %squeeze3A_5 : vector<10240x1xf32>
    %slice3A_6 = vector.extract_strided_slice %get3A_3 {offsets = [0, 1, 0, 0], sizes = [1, 1, 10240, 1], strides = [1, 1, 1, 1]} : vector<2x2x10240x1xf32> to vector<1x1x10240x1xf32>
    %squeeze3A_7 = vector.shape_cast %slice3A_6 : vector<1x1x10240x1xf32> to vector<10240x1xf32>
    %slice3A_8 = vector.extract_strided_slice %get3A_3 {offsets = [1, 1, 0, 0], sizes = [1, 1, 10240, 1], strides = [1, 1, 1, 1]} : vector<2x2x10240x1xf32> to vector<1x1x10240x1xf32>
    %squeeze3A_9 = vector.shape_cast %slice3A_8 : vector<1x1x10240x1xf32> to vector<10240x1xf32>
    %add3A_10 = arith.addf %squeeze3A_7, %squeeze3A_9 : vector<10240x1xf32>
    %max3A = arith.constant 1.000000e+00 : f32
    %max3A_11 = vector.broadcast %max3A : f32 to vector<10240x1xf32>
    %max3A_12 = arith.maximumf %add3A, %max3A_11 : vector<10240x1xf32>
    %rsqrt3A = math.rsqrt %max3A_12 : vector<10240x1xf32>
    %max3A_13 = arith.constant 1.000000e+00 : f32
    %max3A_14 = vector.broadcast %max3A_13 : f32 to vector<10240x1xf32>
    %max3A_15 = arith.maximumf %add3A_10, %max3A_14 : vector<10240x1xf32>
    %rsqrt3A_16 = math.rsqrt %max3A_15 : vector<10240x1xf32>
    %swap3A = arith.constant 0 : index
    %swap3A_17 = arith.constant 0 : index
    %swap3A_18 = vector.load %arg4[%swap3A, %swap3A_17] : memref<10240x1xf32, #tpu.memory_space<vmem>>, vector<10240x1xf32>
    tpu.vector_store %arg4[%swap3A, %swap3A_17], %rsqrt3A_16 {strides = array<i32>} : memref<10240x1xf32, #tpu.memory_space<vmem>>, vector<10240x1xf32>,
    %get3A_19 = arith.constant 0 : index
    %get3A_20 = arith.constant 0 : index
    %get3A_21 = vector.load %arg1[%get3A_19, %get3A_20] : memref<10240x128xf32, #tpu.memory_space<vmem>>, vector<10240x128xf32>
    %mul3A = vector.broadcast %rsqrt3A : vector<10240x1xf32> to vector<10240x128xf32>
    %mul3A_22 = arith.mulf %get3A_21, %mul3A : vector<10240x128xf32>
    %get3A_23 = arith.constant 0 : index
    %get3A_24 = arith.constant 0 : index
    %get3A_25 = vector.load %arg2[%get3A_23, %get3A_24] : memref<128x128xf32, #tpu.memory_space<vmem>>, vector<128x128xf32>
    %dot_general3A = arith.constant dense<0.000000e+00> : vector<10240x128xf32>
    %dot_general3A_26 = tpu.matmul %mul3A_22, %get3A_25, %dot_general3A {dimension_numbers = #tpu.dot_dimension_numbers<[1], [1], [0], [0], [0, 0, 1, 0], [], []>, transpose_lhs_hint = false} : vector<10240x128xf32>, vector<128x128xf32>, vector<10240x128xf32> -> vector<10240x128xf32>
    %swap3A_27 = arith.constant 0 : index
    %swap3A_28 = arith.constant 0 : index
    %swap3A_29 = vector.load %arg3[%swap3A_27, %swap3A_28] : memref<10240x128xf32, #tpu.memory_space<vmem>>, vector<10240x128xf32>
    tpu.vector_store %arg3[%swap3A_27, %swap3A_28], %dot_general3A_26 {strides = array<i32>} : memref<10240x128xf32, #tpu.memory_space<vmem>>, vector<10240x128xf32>,
    return
  }
}

</mosaic_0001>

<sc_bundles>
// kernel: kernel.6.cloned.1.call-start
scs
__scs_entry_jumppad:
0x0: {  	(pc) =	sbr.rel $0x88, $3  }
0x1: {  	(tag) =	ssettag $0x0;
	lr =	simm.s32 $0x1  }
0x2: {  	[smem:$0x3F9D] =	sst lr;
	_ =	strace $0xD0000000  }
0x3: {  	_ = 	snop  }
0x4: {  	_ = 	snop  }
0x5: {  	_ = 	snop  }
0x6: {  	_ = 	snop  }
0x7: {  	_ = 	snop  }
__scs_overlays_trampoline_lowered:
0x8: {  	[smem:$0x3FAC] =	sst s0  }
0x9: {  	[smem:$0x3FAD] =	sst s1  }
0xa: {  	[smem:$0x3FAE] =	sst s2  }
0xb: {  	[smem:$0x3FAF] =	sst s3  }
0xc: {  	[smem:$0x3FB0] =	sst s4  }
0xd: {  	[smem:$0x3FB1] =	sst s5  }
0xe: {  	[smem:$0x3FB2] =	sst s6  }
0xf: {  	[smem:$0x3FB3] =	sst s7  }
0x10: {  	[smem:$0x3FB4] =	sst s8  }
0x11: {  	[smem:$0x3FB5] =	sst s9;
	s0 =	simm.s32 @!p0 $0x0  }
0x12: {  	s1 =	sld [smem:$0x3F9B];
	s0 =	simm.s32 @p0 $0x1  }
0x13: {  	[smem:$0x3FB6] =	sst s0;
	s0 =	simm.s32 @!p1 $0x0  }
0x14: {  	s2 =	sld [smem:$0x3F9A];
	s0 =	simm.s32 @p1 $0x1  }
0x15: {  	[smem:$0x3FB7] =	sst s0;
	s0 =	simm.s32 @!p2 $0x0  }
0x16: {  	s3 =	sld [smem:$0x3FDB];
	s0 =	simm.s32 @p2 $0x1  }
0x17: {  	s4 =	simm.s32 $0x1BF5;
	[smem:$0x3FB9] =	sst s0  }
0x18: {  	s0 =	sld [smem:$0x3F9C];
	_ =	swait.ge [sflag:s4], $0x0  }
0x19: {  	s7 =	sld [smem:$0x3F9D]  }
0x1a: {  	s8 =	sadd.s32 $0xFFFFE003, lr  }
0x1b: {  	s9 =	sadd.s32 $0xFFFFFEF7, lr;
	s5 =	simm.s32 $0xFFFFFFFF;
	p2 =	slt.u32 s8, $0xFFFFF086  }
0x1c: {  	p1 =	slt.u32 s9, $0xF7A;
	s5 =	simm.s32 @!p2 $0x0  }
0x1d: {  	s5 =	simm.s32 @p1 $0x1;
	p0 =	seq.s32 s7, s2  }
0x1e: {  	s7 =	smul.u32 @!p0 $0xF7A, s2;
	p2 =	seq.s32 @!p0 s5, $0x0  }
0x1f: {  	s9 =	smul.u32 $0xF7A, s1;
	s8 =	simm.s32 @!p0 $0x1BF5;
	p2 =	por !p2, p0  }
0x20: {  	[sflag:s8] =	ssyncset.s32 @!p0 $0xFFFFF086;
	s6 =	sadd.s32 @!p0 s3, s7;
	s7 =	simm.s32 @!p0 $0x108  }
0x21: {  	s3 =	sadd.s32 s3, s9;
	s6 =	sadd.s32 @!p0 $0x88, s6;
	s7 =	simm.s32 @p2 $0x1082  }
0x22: {  	[simem:s7], [sflag:s8] =	dma.local @!p0 [hbm:s6], $0xF7A  }
0x23: {  	s9 =	sor.u32 $0xD0000000, s2;
	s6 =	simm.s32 $0x108;
	_ =	swait.ge @!p0 [sflag:s8], $0x0  }
0x24: {  	s3 =	sadd.s32 $0x88, s3;
	s6 =	simm.s32 @!p1 $0x1082;
	[sflag:s4] =	ssyncset.s32 $0xFFFFF086  }
0x25: {  	[simem:s6], [sflag:s4] =	dma.local [hbm:s3], $0xF7A  }
0x26: {  	[smem:$0x3F9D] =	sst s1;
	(tag) =	ssettag s2;
	_ =	strace s9  }
0x27: {  	s1 =	sld [smem:$0x3FAD]  }
0x28: {  	s2 =	sld [smem:$0x3FAE]  }
0x29: {  	s4 =	sld [smem:$0x3FB0]  }
0x2a: {  	p0 =	seq.s32 s5, $0x0;
	s5 =	sld [smem:$0x3FB1]  }
0x2b: {  	s6 =	sld [smem:$0x3FB2]  }
0x2c: {  	s7 =	sld [smem:$0x3FB3]  }
0x2d: {  	s3 =	simm.s32 $0x108;
	s8 =	sld [smem:$0x3FB4]  }
0x2e: {  	s3 =	simm.s32 @!p0 $0x1082;
	s9 =	sld [smem:$0x3FB5]  }
0x2f: {  	lr =	sadd.s32 s0, s3;
	s0 =	sld [smem:$0x3FAC]  }
0x30: {  	s3 =	sld [smem:$0x3FAF]  }
0x31: {  	[smem:$0x3FB8] =	sst s10  }
0x32: {  	s10 =	sld [smem:$0x3FB6];
	_ =	sdelay $0x3  }
0x33: {  	p0 =	seq.s32 s10, $0x1;
	s10 =	sld [smem:$0x3FB8];
	_ =	sdelay $0x3  }
0x34: {  	[smem:$0x3FB8] =	sst s10  }
0x35: {  	s10 =	sld [smem:$0x3FB7];
	_ =	sdelay $0x3  }
0x36: {  	p1 =	seq.s32 s10, $0x1;
	s10 =	sld [smem:$0x3FB8];
	_ =	sdelay $0x3  }
0x37: {  	[smem:$0x3FB8] =	sst s10  }
0x38: {  	s10 =	sld [smem:$0x3FB9]  }
0x39: {  	_ = 	snop;
	(pc) =	sbr.ind lr, $3  }
0x3a: {  	_ = 	snop  }
0x3b: {  	_ = 	snop  }
0x3c: {  	p2 =	seq.s32 s10, $0x1;
	s10 =	sld [smem:$0x3FB8]  }
0x3d: {  	_ =	shalt  }
0x3e: {  	_ =	shalt  }
0x3f: {  	_ =	shalt  }
0x40: {  	_ =	shalt  }
0x41: {  	_ =	shalt  }
0x42: {  	_ =	shalt  }
0x43: {  	_ =	shalt  }
0x44: {  	_ =	shalt  }
0x45: {  	_ =	shalt  }
0x46: {  	_ =	shalt  }
0x47: {  	_ =	shalt  }
0x48: {  	_ =	shalt  }
0x49: {  	_ =	shalt  }
0x4a: {  	_ =	shalt  }
0x4b: {  	_ =	shalt  }
0x4c: {  	_ =	shalt  }
0x4d: {  	_ =	shalt  }
0x4e: {  	_ =	shalt  }
0x4f: {  	_ =	shalt  }
0x50: {  	_ =	shalt  }
0x51: {  	_ =	shalt  }
0x52: {  	_ =	shalt  }
0x53: {  	_ =	shalt  }
0x54: {  	_ =	shalt  }
0x55: {  	_ =	shalt  }
0x56: {  	_ =	shalt  }
0x57: {  	_ =	shalt  }
0x58: {  	_ =	shalt  }
0x59: {  	_ =	shalt  }
0x5a: {  	_ =	shalt  }
0x5b: {  	_ =	shalt  }
0x5c: {  	_ =	shalt  }
0x5d: {  	_ =	shalt  }
0x5e: {  	_ =	shalt  }
0x5f: {  	_ =	shalt  }
0x60: {  	_ =	shalt  }
0x61: {  	_ =	shalt  }
0x62: {  	_ =	shalt  }
0x63: {  	_ =	shalt  }
0x64: {  	_ =	shalt  }
0x65: {  	_ =	shalt  }
0x66: {  	_ =	shalt  }
0x67: {  	_ =	shalt  }
0x68: {  	_ =	shalt  }
0x69: {  	_ =	shalt  }
0x6a: {  	_ =	shalt  }
0x6b: {  	_ =	shalt  }
0x6c: {  	_ =	shalt  }
0x6d: {  	_ =	shalt  }
0x6e: {  	_ =	shalt  }
0x6f: {  	_ =	shalt  }
0x70: {  	_ =	shalt  }
0x71: {  	_ =	shalt  }
0x72: {  	_ =	shalt  }
0x73: {  	_ =	shalt  }
0x74: {  	_ =	shalt  }
0x75: {  	_ =	shalt  }
0x76: {  	_ =	shalt  }
0x77: {  	_ =	shalt  }
0x78: {  	_ =	shalt  }
0x79: {  	_ =	shalt  }
0x7a: {  	_ =	shalt  }
0x7b: {  	_ =	shalt  }
0x7c: {  	_ =	shalt  }
0x7d: {  	_ =	shalt  }
0x7e: {  	_ =	shalt  }
0x7f: {  	_ =	shalt  }
0x80: {  	_ =	shalt  }
0x81: {  	_ =	shalt  }
0x82: {  	_ =	shalt  }
0x83: {  	_ =	shalt  }
0x84: {  	_ =	shalt  }
0x85: {  	_ =	shalt  }
0x86: {  	_ =	shalt  }
0x87: {  	_ =	shalt  }
.Lfunc_end0:
.L_simem_size_0:
called_computation_lowered:
.L_overlay_start_0:
0x88: {  	s2 =	sld [smem:$0x3FD9]  }
0x89: {  	s3 =	sld [smem:$0x3FFE];
	_ =	sdelay $0x1  }
0x8a: {  	s1 =	srdreg.scid  }
0x8b: {  	s0 =	sand.u32 $0x1, s1  }
0x8c: {  	s17 =	sshll.u32 s0, $0xA;
	s2 =	sadd.s32 s3, s2  }
0x8d: {  	s2 =	sadd.s32 s2, s17  }
0x8e: {  	[smem:$0x3FC4] =	sst s2  }
0x8f: {  	_ = 	snop  }
0x90: {  	s2 =	sld [smem:$0x3FD0];
	(tm) =	ssettm $0x1  }
0x91: {  	s18 =	sld [smem:$0x3FFB];
	_ =	sdelay $0x3  }
0x92: {  	_ =	strace s18  }
0x93: {  	s3 =	sld [smem:$0x3FFC];
	_ =	sdelay $0x3  }
0x94: {  	_ =	strace s3  }
0x95: {  	s3 =	sld [smem:$0x3FFD];
	_ =	sdelay $0x3  }
0x96: {  	_ =	strace s3  }
0x97: {  	_ =	strace $0x8FFFFFFF  }
0x98: {  	s19 =	sld [smem:$0x3FDB];
	_ =	sdelay $0x1  }
0x99: {  	s4 =	simm.s32 $_scs_section_size  }
0x9a: {  	s5 =	simm.s32 $_size__tile_overlayer_lowered;
	s6 =	simm.s32 $_tile_overlayer_lowered  }
0x9b: {  	s22 =	simm.s32 $0x1BFF;
	s21 =	sshll.u32 s6, $0x1;
	s3 =	sadd.s32 s4, s19  }
0x9c: {  	s7 =	simm.s32 $0x0;
	s20 =	sshll.u32 s5, $0x1;
	s5 =	sadd.s32 s21, s3  }
0x9d: {  	[timem:s7], [sflag:s22] =	dma.local [hbm:s5], s20  }
0x9e: {  	_ =	swait.ge [sflag:s22], s20  }
0x9f: {  	s4 =	ssub.s32 $0x0, s20;
	[sflag:s22] =	ssyncset.done $0x0  }
0xa0: {  	[sflag:s22] =	ssyncadd.s32 s4;
	_ =	sdelay $0x1  }
0xa1: {  	s23 =	simm.s32 $0x1B8B  }
0xa2: {  	_ =	swait.ge [sflag:s23], $0x1  }
0xa3: {  	[sflag:s23] =	ssyncset.done $0x0  }
0xa4: {  	s25 =	simm.s32 $0x1B8E;
	s24 =	sld [smem:$0x3FFE];
	[sflag:s23] =	ssyncadd.s32 $0xFFFFFFFF  }
0xa5: {  	s26 =	simm.s32 $execute0_lowered;
	[smem:$0x3FD2] =	sst s25  }
0xa6: {  	s5 =	sshll.u32 s26, $0x1;
	_ =	strace $0x80000046;
	[dreg:$0x1] =	wrdreg $0xFFFFFFFF  }
0xa7: {  	s28 =	simm.s32 $_size_execute0_lowered;
	s3 =	sadd.s32 s3, s5;
	[dreg:$0x0] =	wrdreg $0x0  }
0xa8: {  	s5 =	sshll.u32 s28, $0x1;
	[dreg:$0x2] =	wrdreg s3  }
0xa9: {  	[dreg:$0x3] =	wrdreg s5  }
0xaa: {  	[dreg:$0x4] =	wrdreg $0xC0  }
0xab: {  	_ =	task [dreg:s7], $0x5FFFF  }
0xac: {  	[dreg:$0x1] =	wrdreg $0xFFFFFFFF  }
0xad: {  	[dreg:$0x0] =	wrdreg $0x60  }
0xae: {  	[dreg:$0x2] =	wrdreg s2  }
0xaf: {  	[dreg:$0x3] =	wrdreg s24  }
0xb0: {  	[dreg:$0x4] =	wrdreg $0x53000  }
0xb1: {  	[dreg:$0x5] =	wrdreg $0x55800  }
0xb2: {  	[dreg:$0x6] =	wrdreg $0x9  }
0xb3: {  	_ =	task.clear_ibuf [dreg:s7], $0x7FFFF;
	_ =	strace $0x90000046  }
0xb4: {  	s29 =	simm.s32 $0x9;
	_ =	strace $0x80000048  }
0xb5: {  	_ =	swait.ge [sflag:s29], $0x1  }
0xb6: {  	[sflag:s29] =	ssyncadd.s32 $0xFFFFFFFF  }
0xb7: {  	_ =	strace $0x90000048  }
0xb8: {  	_ =	sfence  }
0xb9: {  	s30 =	sld [smem:$0x0];
	_ =	sdelay $0x2  }
0xba: {  	s31 =	sshll.u32 s1, $0xD;
	s1 =	sshrl.u32 s1, $0x2  }
0xbb: {  	s3 =	sand.u32 $0x4000, s31;
	s1 =	sadd.s32 s1, s30  }
0xbc: {  	s0 =	sor.u32 s3, s0;
	s1 =	sshll.u32 s1, $0x11  }
0xbd: {  	s0 =	sor.u32 s1, s0  }
0xbe: {  	s0 =	sadd.s32 $0x8F2B, s0  }
0xbf: {  	[sflag:s0] =	ssyncadd.remote.s32 $0x1  }
0xc0: {  	_ =	sfence.sel $0xFFFF  }
0xc1: {  	[dreg:$0x0] =	wrdreg $0xFFFFFFFF;
	(pc) =	sbr.abs _section_cstart, $3  }
0xc2: {  	[dreg:$0x1] =	wrdreg $0xFFFFFFFF  }
0xc3: {  	_ =	task.clear_ibuf [dreg:s7], $0x2FFFF;
	_ =	strace $0x9FFFFFFF  }
0xc4: {  	(tm) =	ssettm $0x7FFFFFFF  }
0xc5: {  	_ =	shalt  }
tec
execute0_lowered:
.L_overlay_start_1:
0x0: {  	(tag) =	ssettag $0x1  }
0x1: {  	s7 =	rddreg [dreg:$0x0]  }
0x2: {  	s5 =	rddreg [dreg:$0x1]  }
0x3: {  	s1 =	rddreg [dreg:$0x2]  }
0x4: {  	s3 =	rddreg [dreg:$0x3];
	s2 =	srdreg.scid  }
0x5: {  	s0 =	rddreg [dreg:$0x4];
	s4 =	simm.s32 $0x0;
	s14 =	simm.s32 $0x2800  }
0x6: {  	s15 =	simm.s32 $0x80;
	s16 =	simm.s32 $0x5000;
	s6 =	sand.u32 $0x1, s2  }
0x7: {  	s17 =	simm.s32 $0x100;
	s2 =	stileid.u32;
	s8 =	smul.u32 $0x5000, s6  }
0x8: {  	s18 =	simm.s32 $0x0;
	s9 =	sshll.u32 s2, $0x1;
	s10 =	smul.u32 $0x500, s2  }
0x9: {  	[smem:$0x7FF] =	sst s4;
	s30 =	smul.u32 $0x280, s2;
	s9 =	sor.u32 s6, s9  }
0xa: {  	s6 =	ssub.s32 $0x2, s6;
	s9 =	smul.u32 $0x500, s9;
	s8 =	sadd.s32 s10, s8  }
0xb: {  	_ =	strace $0x80000047;
	s31 =	sshrl.u32 s6, $0x1;
	s8 =	sshrl.u32 s8, $0x3  }
0xc: {  	s13 =	ssub.s32 s6, s31;
	s6 =	sadd.s32 s30, s3;
	s11 =	sadd.s32 s9, s5  }
0xd: {  	s12 =	sadd.s32 s8, s5;
	s5 =	sadd.s32 s30, s1;
	s7 =	sadd.s32 s7, s9  }
0xe: {  	s8 =	sadd.s32 $0x1200, s11;
	s9 =	sadd.s32 $0xB200, s12;
	s10 =	sadd.s32 $0xB210, s12  }
0xf: {  	v0 =	vimm.f32 $1.000000000e+00;
	v1 =	vimm.f32 $0.0e+00;
	s11 =	smax.u32 s13, $0x1;
	s12 =	simm.s32 $0x5080;
	s13 =	simm.s32 $0x1  }
.LBB2_1:
0x10: {  	[tilespmem:$0x5000] =	vst v0  }
0x11: {  	[tilespmem:$0x5010] =	vst v0  }
0x12: {  	[tilespmem:$0x5020] =	vst v0  }
0x13: {  	[tilespmem:$0x5030] =	vst v0  }
0x14: {  	[tilespmem:$0x5040] =	vst v0  }
0x15: {  	[tilespmem:$0x5050] =	vst v0  }
0x16: {  	[tilespmem:$0x5060] =	vst v0  }
0x17: {  	[tilespmem:$0x5070] =	vst v0  }
0x18: {  	[tilespmem:$0x5080] =	vst v1  }
0x19: {  	[tilespmem:$0x5090] =	vst v1  }
0x1a: {  	[tilespmem:$0x50A0] =	vst v1  }
0x1b: {  	[tilespmem:$0x50B0] =	vst v1  }
0x1c: {  	[tilespmem:$0x50C0] =	vst v1  }
0x1d: {  	[tilespmem:$0x50D0] =	vst v1  }
0x1e: {  	[tilespmem:$0x50E0] =	vst v1  }
0x1f: {  	[tilespmem:$0x50F0] =	vst v1  }
0x20: {  	[tilespmem:$0x5100] =	vst v1  }
0x21: {  	[tilespmem:$0x5110] =	vst v1  }
0x22: {  	[tilespmem:$0x5120] =	vst v1  }
0x23: {  	[tilespmem:$0x5130] =	vst v1  }
0x24: {  	[tilespmem:$0x5140] =	vst v1  }
0x25: {  	[tilespmem:$0x5150] =	vst v1  }
0x26: {  	[tilespmem:$0x5160] =	vst v1  }
0x27: {  	[tilespmem:$0x5170] =	vst v1  }
0x28: {  	[tilespmem:$0x5180] =	vst v1  }
0x29: {  	[tilespmem:$0x5190] =	vst v1  }
0x2a: {  	[tilespmem:$0x51A0] =	vst v1  }
0x2b: {  	[tilespmem:$0x51B0] =	vst v1  }
0x2c: {  	[tilespmem:$0x51C0] =	vst v1  }
0x2d: {  	[tilespmem:$0x51D0] =	vst v1  }
0x2e: {  	[tilespmem:$0x51E0] =	vst v1  }
0x2f: {  	[tilespmem:$0x51F0] =	vst v1  }
0x30: {  	[tilespmem:$0x5200] =	vst v1  }
0x31: {  	[tilespmem:$0x5210] =	vst v1  }
0x32: {  	[tilespmem:$0x5220] =	vst v1  }
0x33: {  	[tilespmem:$0x5230] =	vst v1  }
0x34: {  	[tilespmem:$0x5240] =	vst v1  }
0x35: {  	[tilespmem:$0x5250] =	vst v1  }
0x36: {  	[tilespmem:$0x5260] =	vst v1  }
0x37: {  	[tilespmem:$0x5270] =	vst v1  }
0x38: {  	[tilespmem:$0x5280] =	vst v1  }
0x39: {  	[tilespmem:$0x5290] =	vst v1  }
0x3a: {  	[tilespmem:$0x52A0] =	vst v1  }
0x3b: {  	[tilespmem:$0x52B0] =	vst v1  }
0x3c: {  	[tilespmem:$0x52C0] =	vst v1  }
0x3d: {  	[tilespmem:$0x52D0] =	vst v1  }
0x3e: {  	[tilespmem:$0x52E0] =	vst v1  }
0x3f: {  	[tilespmem:$0x52F0] =	vst v1  }
0x40: {  	[spmem:s5] =	stream.linear.scatter [tilespmem:s12], [sflag:$0x1], $0x280, $0x38;
	[tilespmem:$0x5800] =	vst v63  }
0x41: {  	_ =	swait.ge [sflag:s13], $0x280  }
0x42: {  	[sflag:s13] =	ssyncset.done $0x0  }
0x43: {  	[sflag:s13] =	ssyncadd.s32 $0xFFFFFD80  }
0x44: {  	[spmem:s6] =	stream.linear.scatter [tilespmem:s12], [sflag:$0x1], $0x280, $0x38;
	[tilespmem:$0x5800] =	vst v63  }
0x45: {  	_ =	swait.ge [sflag:s13], $0x280  }
0x46: {  	[sflag:s13] =	ssyncset.done $0x0  }
0x47: {  	[sflag:s13] =	ssyncadd.s32 $0xFFFFFD80  }
0x48: {  	[bflag:$0x0] =	sbarrier.arrive $0xFFFF  }
0x49: {  	[tilespmem:s4], [sflag:$0x1] =	stream.linear.gather [hbm4b:s7+s4], $0x2780, $0x38;
	[tilespmem:$0x5800] =	vst v63  }
0x4a: {  	_ =	swait.ge [sflag:s13], $0x2780  }
0x4b: {  	[sflag:s13] =	ssyncset.done $0x0  }
0x4c: {  	[sflag:s13] =	ssyncadd.s32 $0xFFFFD880  }
0x4d: {  	[tilespmem:s14], [sflag:$0x1] =	stream.linear.gather [hbm4b:s8+s4], $0x2780, $0x38;
	[tilespmem:$0x5800] =	vst v63  }
0x4e: {  	_ =	swait.ge [sflag:s13], $0x2780  }
0x4f: {  	[sflag:s13] =	ssyncset.done $0x0  }
0x50: {  	s19 =	simm.s32 $0x0;
	[sflag:s13] =	ssyncadd.s32 $0xFFFFD880  }
0x51: {  	[spmem:s1] =	stream.indirect.scatter.add.f32 [tilespmem:s16], [sflag:$0x1], $0x1, s19, s15, $0xb8;
	[tilespmem:$0x5800] =	vst v63  }
0x52: {  	_ =	swait.ge [sflag:s13], $0x80  }
0x53: {  	[sflag:s13] =	ssyncset.done $0x0  }
0x54: {  	s31 =	simm.s32 $0x2800;
	[sflag:s13] =	ssyncadd.s32 $0xFFFFFF80  }
0x55: {  	[spmem:s3] =	stream.indirect.scatter.add.f32 [tilespmem:s16], [sflag:$0x1], $0x1, s31, s15, $0xb8;
	[tilespmem:$0x5800] =	vst v63  }
0x56: {  	_ =	swait.ge [sflag:s13], $0x80  }
0x57: {  	s20 =	simm.s32 $0x400;
	s19 =	simm.s32 $0x200;
	[sflag:s13] =	ssyncset.done $0x0  }
.LBB2_2:
0x58: {  	s21 =	sshra.s32 s19, $0x2  }
0x59: {  	[sflag:s13] =	ssyncadd.s32 $0xFFFFFF80;
	s19 =	smov.u32 s20;
	s22 =	sadd.s32 $0x200, s20  }
0x5a: {  	[spmem:s1] =	stream.indirect.scatter.add.f32 [tilespmem:s16], [sflag:$0x1], $0x1, s21, s15, $0xb8;
	[tilespmem:$0x5800] =	vst v63  }
0x5b: {  	p0 =	sne.s32 s20, $0x9C00;
	_ =	swait.ge [sflag:s13], $0x80  }
.Ltmp0:
0x5c: {  	[sflag:s13] =	ssyncset.done $0x0;
	(pc) =	sbr.rel @p0 .LBB2_2-.Ltmp0, $4  }
0x5d: {  	s20 =	sadd.s32 $0x2800, s21;
	[sflag:s13] =	ssyncadd.s32 $0xFFFFFF80  }
0x5e: {  	[spmem:s3] =	stream.indirect.scatter.add.f32 [tilespmem:s16], [sflag:$0x1], $0x1, s20, s15, $0xb8;
	[tilespmem:$0x5800] =	vst v63  }
0x5f: {  	_ =	swait.ge [sflag:s13], $0x80  }
0x60: {  	s20 =	smov.u32 s22;
	[sflag:s13] =	ssyncset.done $0x0  }
0x61: {  	s19 =	sshra.s32 s19, $0x2;
	[sflag:s13] =	ssyncadd.s32 $0xFFFFFF80  }
0x62: {  	[spmem:s1] =	stream.indirect.scatter.add.f32 [tilespmem:s16], [sflag:$0x1], $0x1, s19, s15, $0xb8;
	[tilespmem:$0x5800] =	vst v63  }
0x63: {  	_ =	swait.ge [sflag:s13], $0x80  }
0x64: {  	[sflag:s13] =	ssyncset.done $0x0  }
0x65: {  	s19 =	sadd.s32 $0x2800, s19;
	[sflag:s13] =	ssyncadd.s32 $0xFFFFFF80  }
0x66: {  	[spmem:s3] =	stream.indirect.scatter.add.f32 [tilespmem:s16], [sflag:$0x1], $0x1, s19, s15, $0xb8;
	[tilespmem:$0x5800] =	vst v63  }
0x67: {  	_ =	swait.ge [sflag:s13], $0x80  }
0x68: {  	[sflag:s13] =	ssyncset.done $0x0  }
0x69: {  	[sflag:s13] =	ssyncadd.s32 $0xFFFFFF80  }
0x6a: {  	[bflag:$0x0] =	sbarrier.arrive $0xFFFF  }
0x6b: {  	[tilespmem:s12], [sflag:$0x1] =	stream.linear.gather [spmem:s5], $0x280, $0x38;
	[tilespmem:$0x5800] =	vst v63  }
0x6c: {  	_ =	swait.ge [sflag:s13], $0x280  }
0x6d: {  	[sflag:s13] =	ssyncset.done $0x0  }
0x6e: {  	[sflag:s13] =	ssyncadd.s32 $0xFFFFFD80  }
0x6f: {  	[hbm4b:s9+s15] =	stream.strided.scatter [tilespmem:s12], [sflag:$0x1], $0x280, s17, s15, $0x38;
	[tilespmem:$0x5800] =	vst v63  }
0x70: {  	_ =	swait.ge [sflag:s13], $0x280  }
0x71: {  	[sflag:s13] =	ssyncset.done $0x0  }
0x72: {  	[sflag:s13] =	ssyncadd.s32 $0xFFFFFD80  }
0x73: {  	[tilespmem:s12], [sflag:$0x1] =	stream.linear.gather [spmem:s6], $0x280, $0x38;
	[tilespmem:$0x5800] =	vst v63  }
0x74: {  	s18 =	sadd.s32 $0x1, s18;
	_ =	swait.ge [sflag:s13], $0x280  }
0x75: {  	p0 =	sne.s32 s18, s11;
	[sflag:s13] =	ssyncset.done $0x0  }
.Ltmp1:
0x76: {  	[sflag:s13] =	ssyncadd.s32 $0xFFFFFD80;
	(pc) =	sbr.rel @p0 .LBB2_1-.Ltmp1, $4  }
0x77: {  	[hbm4b:s10+s15] =	stream.strided.scatter [tilespmem:s12], [sflag:$0x1], $0x280, s17, s15, $0x38;
	[tilespmem:$0x5800] =	vst v63  }
0x78: {  	_ =	swait.ge [sflag:s13], $0x280  }
0x79: {  	[sflag:s13] =	ssyncset.done $0x0  }
0x7a: {  	[sflag:s13] =	ssyncadd.s32 $0xFFFFFD80  }
0x7b: {  	_ =	sfence.sel $0x180000  }
0x7c: {  	[bflag:$0x0] =	sbarrier.arrive $0xFFFF  }
0x7d: {  	p0 =	sne.s32 s2, $0x0;
	_ =	strace $0x90000047  }
0x7e: {  	s0 =	sadd.s32 @!p0 $0x100000, s0;
	[bflag:$0x2] =	sbarrier.arrive $0xFFFF  }
0x7f: {  	[sflag:s0] =	ssyncadd.tile.s32 @!p0 $0x1;
	_ =	shalt  }
.Lfunc_end2:
_tile_overlayer_lowered:
.L_overlay_start_2:
0x80: {  	(tag) =	ssettag $0x2  }
0x81: {  	s0 =	rddreg [dreg:$0x0];
	s2 =	stileid.u32  }
0x82: {  	s1 =	rddreg [dreg:$0x1];
	p0 =	sne.s32 s2, $0x0  }
0x83: {  	s3 =	rddreg [dreg:$0x2];
	[bflag:$0x3] =	sbarrier.arrive $0xFFFF;
	s2 =	simm.s32 @!p0 $0x1C01  }
0x84: {  	[timem:s3], [sflag:s2] =	dma.local @!p0 [hbm:s0], s1  }
0x85: {  	s0 =	simm.s32 @!p0 $0x1  }
0x86: {  	_ =	swait.ge @!p0 [sflag:s0], s1  }
0x87: {  	s1 =	ssub.s32 @!p0 $0x0, s1;
	[sflag:s0] =	ssyncset.done @!p0 $0x0  }
0x88: {  	[sflag:s0] =	ssyncadd.s32 @!p0 s1  }
0x89: {  	[bflag:$0x3] =	sbarrier.arrive $0xFFFF  }
0x8a: {  	_ =	shalt  }

// kernel: kernel.9.cloned.1.call-start
scs
__scs_entry_jumppad:
0x0: {  	(pc) =	sbr.rel $0x88, $3  }
0x1: {  	(tag) =	ssettag $0x0;
	lr =	simm.s32 $0x1  }
0x2: {  	[smem:$0x3F9D] =	sst lr;
	_ =	strace $0xD0000000  }
0x3: {  	_ = 	snop  }
0x4: {  	_ = 	snop  }
0x5: {  	_ = 	snop  }
0x6: {  	_ = 	snop  }
0x7: {  	_ = 	snop  }
__scs_overlays_trampoline_lowered:
0x8: {  	[smem:$0x3FAC] =	sst s0  }
0x9: {  	[smem:$0x3FAD] =	sst s1  }
0xa: {  	[smem:$0x3FAE] =	sst s2  }
0xb: {  	[smem:$0x3FAF] =	sst s3  }
0xc: {  	[smem:$0x3FB0] =	sst s4  }
0xd: {  	[smem:$0x3FB1] =	sst s5  }
0xe: {  	[smem:$0x3FB2] =	sst s6  }
0xf: {  	[smem:$0x3FB3] =	sst s7  }
0x10: {  	[smem:$0x3FB4] =	sst s8  }
0x11: {  	[smem:$0x3FB5] =	sst s9;
	s0 =	simm.s32 @!p0 $0x0  }
0x12: {  	s1 =	sld [smem:$0x3F9B];
	s0 =	simm.s32 @p0 $0x1  }
0x13: {  	[smem:$0x3FB6] =	sst s0;
	s0 =	simm.s32 @!p1 $0x0  }
0x14: {  	s2 =	sld [smem:$0x3F9A];
	s0 =	simm.s32 @p1 $0x1  }
0x15: {  	[smem:$0x3FB7] =	sst s0;
	s0 =	simm.s32 @!p2 $0x0  }
0x16: {  	s3 =	sld [smem:$0x3FDB];
	s0 =	simm.s32 @p2 $0x1  }
0x17: {  	s4 =	simm.s32 $0x1BF5;
	[smem:$0x3FB9] =	sst s0  }
0x18: {  	s0 =	sld [smem:$0x3F9C];
	_ =	swait.ge [sflag:s4], $0x0  }
0x19: {  	s7 =	sld [smem:$0x3F9D]  }
0x1a: {  	s8 =	sadd.s32 $0xFFFFE003, lr  }
0x1b: {  	s9 =	sadd.s32 $0xFFFFFEF7, lr;
	s5 =	simm.s32 $0xFFFFFFFF;
	p2 =	slt.u32 s8, $0xFFFFF086  }
0x1c: {  	p1 =	slt.u32 s9, $0xF7A;
	s5 =	simm.s32 @!p2 $0x0  }
0x1d: {  	s5 =	simm.s32 @p1 $0x1;
	p0 =	seq.s32 s7, s2  }
0x1e: {  	s7 =	smul.u32 @!p0 $0xF7A, s2;
	p2 =	seq.s32 @!p0 s5, $0x0  }
0x1f: {  	s9 =	smul.u32 $0xF7A, s1;
	s8 =	simm.s32 @!p0 $0x1BF5;
	p2 =	por !p2, p0  }
0x20: {  	[sflag:s8] =	ssyncset.s32 @!p0 $0xFFFFF086;
	s6 =	sadd.s32 @!p0 s3, s7;
	s7 =	simm.s32 @!p0 $0x108  }
0x21: {  	s3 =	sadd.s32 s3, s9;
	s6 =	sadd.s32 @!p0 $0x88, s6;
	s7 =	simm.s32 @p2 $0x1082  }
0x22: {  	[simem:s7], [sflag:s8] =	dma.local @!p0 [hbm:s6], $0xF7A  }
0x23: {  	s9 =	sor.u32 $0xD0000000, s2;
	s6 =	simm.s32 $0x108;
	_ =	swait.ge @!p0 [sflag:s8], $0x0  }
0x24: {  	s3 =	sadd.s32 $0x88, s3;
	s6 =	simm.s32 @!p1 $0x1082;
	[sflag:s4] =	ssyncset.s32 $0xFFFFF086  }
0x25: {  	[simem:s6], [sflag:s4] =	dma.local [hbm:s3], $0xF7A  }
0x26: {  	[smem:$0x3F9D] =	sst s1;
	(tag) =	ssettag s2;
	_ =	strace s9  }
0x27: {  	s1 =	sld [smem:$0x3FAD]  }
0x28: {  	s2 =	sld [smem:$0x3FAE]  }
0x29: {  	s4 =	sld [smem:$0x3FB0]  }
0x2a: {  	p0 =	seq.s32 s5, $0x0;
	s5 =	sld [smem:$0x3FB1]  }
0x2b: {  	s6 =	sld [smem:$0x3FB2]  }
0x2c: {  	s7 =	sld [smem:$0x3FB3]  }
0x2d: {  	s3 =	simm.s32 $0x108;
	s8 =	sld [smem:$0x3FB4]  }
0x2e: {  	s3 =	simm.s32 @!p0 $0x1082;
	s9 =	sld [smem:$0x3FB5]  }
0x2f: {  	lr =	sadd.s32 s0, s3;
	s0 =	sld [smem:$0x3FAC]  }
0x30: {  	s3 =	sld [smem:$0x3FAF]  }
0x31: {  	[smem:$0x3FB8] =	sst s10  }
0x32: {  	s10 =	sld [smem:$0x3FB6];
	_ =	sdelay $0x3  }
0x33: {  	p0 =	seq.s32 s10, $0x1;
	s10 =	sld [smem:$0x3FB8];
	_ =	sdelay $0x3  }
0x34: {  	[smem:$0x3FB8] =	sst s10  }
0x35: {  	s10 =	sld [smem:$0x3FB7];
	_ =	sdelay $0x3  }
0x36: {  	p1 =	seq.s32 s10, $0x1;
	s10 =	sld [smem:$0x3FB8];
	_ =	sdelay $0x3  }
0x37: {  	[smem:$0x3FB8] =	sst s10  }
0x38: {  	s10 =	sld [smem:$0x3FB9]  }
0x39: {  	_ = 	snop;
	(pc) =	sbr.ind lr, $3  }
0x3a: {  	_ = 	snop  }
0x3b: {  	_ = 	snop  }
0x3c: {  	p2 =	seq.s32 s10, $0x1;
	s10 =	sld [smem:$0x3FB8]  }
0x3d: {  	_ =	shalt  }
0x3e: {  	_ =	shalt  }
0x3f: {  	_ =	shalt  }
0x40: {  	_ =	shalt  }
0x41: {  	_ =	shalt  }
0x42: {  	_ =	shalt  }
0x43: {  	_ =	shalt  }
0x44: {  	_ =	shalt  }
0x45: {  	_ =	shalt  }
0x46: {  	_ =	shalt  }
0x47: {  	_ =	shalt  }
0x48: {  	_ =	shalt  }
0x49: {  	_ =	shalt  }
0x4a: {  	_ =	shalt  }
0x4b: {  	_ =	shalt  }
0x4c: {  	_ =	shalt  }
0x4d: {  	_ =	shalt  }
0x4e: {  	_ =	shalt  }
0x4f: {  	_ =	shalt  }
0x50: {  	_ =	shalt  }
0x51: {  	_ =	shalt  }
0x52: {  	_ =	shalt  }
0x53: {  	_ =	shalt  }
0x54: {  	_ =	shalt  }
0x55: {  	_ =	shalt  }
0x56: {  	_ =	shalt  }
0x57: {  	_ =	shalt  }
0x58: {  	_ =	shalt  }
0x59: {  	_ =	shalt  }
0x5a: {  	_ =	shalt  }
0x5b: {  	_ =	shalt  }
0x5c: {  	_ =	shalt  }
0x5d: {  	_ =	shalt  }
0x5e: {  	_ =	shalt  }
0x5f: {  	_ =	shalt  }
0x60: {  	_ =	shalt  }
0x61: {  	_ =	shalt  }
0x62: {  	_ =	shalt  }
0x63: {  	_ =	shalt  }
0x64: {  	_ =	shalt  }
0x65: {  	_ =	shalt  }
0x66: {  	_ =	shalt  }
0x67: {  	_ =	shalt  }
0x68: {  	_ =	shalt  }
0x69: {  	_ =	shalt  }
0x6a: {  	_ =	shalt  }
0x6b: {  	_ =	shalt  }
0x6c: {  	_ =	shalt  }
0x6d: {  	_ =	shalt  }
0x6e: {  	_ =	shalt  }
0x6f: {  	_ =	shalt  }
0x70: {  	_ =	shalt  }
0x71: {  	_ =	shalt  }
0x72: {  	_ =	shalt  }
0x73: {  	_ =	shalt  }
0x74: {  	_ =	shalt  }
0x75: {  	_ =	shalt  }
0x76: {  	_ =	shalt  }
0x77: {  	_ =	shalt  }
0x78: {  	_ =	shalt  }
0x79: {  	_ =	shalt  }
0x7a: {  	_ =	shalt  }
0x7b: {  	_ =	shalt  }
0x7c: {  	_ =	shalt  }
0x7d: {  	_ =	shalt  }
0x7e: {  	_ =	shalt  }
0x7f: {  	_ =	shalt  }
0x80: {  	_ =	shalt  }
0x81: {  	_ =	shalt  }
0x82: {  	_ =	shalt  }
0x83: {  	_ =	shalt  }
0x84: {  	_ =	shalt  }
0x85: {  	_ =	shalt  }
0x86: {  	_ =	shalt  }
0x87: {  	_ =	shalt  }
.Lfunc_end0:
.L_simem_size_0:
called_computation.1_lowered:
.L_overlay_start_0:
0x88: {  	s2 =	sld [smem:$0x3FD9]  }
0x89: {  	s3 =	sld [smem:$0x3FFE];
	_ =	sdelay $0x1  }
0x8a: {  	s1 =	srdreg.scid  }
0x8b: {  	s0 =	sand.u32 $0x1, s1  }
0x8c: {  	s17 =	sshll.u32 s0, $0xA;
	s2 =	sadd.s32 s3, s2  }
0x8d: {  	s2 =	sadd.s32 s2, s17  }
0x8e: {  	[smem:$0x3FC4] =	sst s2  }
0x8f: {  	_ = 	snop  }
0x90: {  	s2 =	sld [smem:$0x3FD0];
	(tm) =	ssettm $0x1  }
0x91: {  	s18 =	sld [smem:$0x3FFB];
	_ =	sdelay $0x3  }
0x92: {  	_ =	strace s18  }
0x93: {  	s3 =	sld [smem:$0x3FFC];
	_ =	sdelay $0x3  }
0x94: {  	_ =	strace s3  }
0x95: {  	s3 =	sld [smem:$0x3FFD];
	_ =	sdelay $0x3  }
0x96: {  	_ =	strace s3  }
0x97: {  	_ =	strace $0x8FFFFFFF  }
0x98: {  	s19 =	sld [smem:$0x3FDB];
	_ =	sdelay $0x1  }
0x99: {  	s4 =	simm.s32 $_scs_section_size  }
0x9a: {  	s5 =	simm.s32 $_size__tile_overlayer_lowered;
	s6 =	simm.s32 $_tile_overlayer_lowered  }
0x9b: {  	s22 =	simm.s32 $0x1BFF;
	s21 =	sshll.u32 s6, $0x1;
	s3 =	sadd.s32 s4, s19  }
0x9c: {  	s7 =	simm.s32 $0x0;
	s20 =	sshll.u32 s5, $0x1;
	s5 =	sadd.s32 s21, s3  }
0x9d: {  	[timem:s7], [sflag:s22] =	dma.local [hbm:s5], s20  }
0x9e: {  	_ =	swait.ge [sflag:s22], s20  }
0x9f: {  	s4 =	ssub.s32 $0x0, s20;
	[sflag:s22] =	ssyncset.done $0x0  }
0xa0: {  	[sflag:s22] =	ssyncadd.s32 s4;
	_ =	sdelay $0x1  }
0xa1: {  	s23 =	simm.s32 $0x1B8B  }
0xa2: {  	_ =	swait.ge [sflag:s23], $0x1  }
0xa3: {  	[sflag:s23] =	ssyncset.done $0x0  }
0xa4: {  	s25 =	simm.s32 $0x1B8E;
	s24 =	sld [smem:$0x3FFE];
	[sflag:s23] =	ssyncadd.s32 $0xFFFFFFFF  }
0xa5: {  	s26 =	simm.s32 $execute0_lowered;
	[smem:$0x3FD2] =	sst s25  }
0xa6: {  	s5 =	sshll.u32 s26, $0x1;
	_ =	strace $0x80000049;
	[dreg:$0x1] =	wrdreg $0xFFFFFFFF  }
0xa7: {  	s28 =	simm.s32 $_size_execute0_lowered;
	s3 =	sadd.s32 s3, s5;
	[dreg:$0x0] =	wrdreg $0x0  }
0xa8: {  	s5 =	sshll.u32 s28, $0x1;
	[dreg:$0x2] =	wrdreg s3  }
0xa9: {  	[dreg:$0x3] =	wrdreg s5  }
0xaa: {  	[dreg:$0x4] =	wrdreg $0xC0  }
0xab: {  	_ =	task [dreg:s7], $0x5FFFF  }
0xac: {  	[dreg:$0x1] =	wrdreg $0xFFFFFFFF  }
0xad: {  	[dreg:$0x0] =	wrdreg $0x60  }
0xae: {  	[dreg:$0x2] =	wrdreg s24  }
0xaf: {  	[dreg:$0x3] =	wrdreg s2  }
0xb0: {  	[dreg:$0x4] =	wrdreg $0xB0000  }
0xb1: {  	[dreg:$0x5] =	wrdreg $0x9  }
0xb2: {  	_ =	task.clear_ibuf [dreg:s7], $0x6FFFF;
	_ =	strace $0x90000049  }
0xb3: {  	s29 =	simm.s32 $0x9;
	_ =	strace $0x8000004B  }
0xb4: {  	_ =	swait.ge [sflag:s29], $0x1  }
0xb5: {  	[sflag:s29] =	ssyncadd.s32 $0xFFFFFFFF  }
0xb6: {  	_ =	strace $0x9000004B  }
0xb7: {  	_ =	sfence  }
0xb8: {  	s30 =	sld [smem:$0x0];
	_ =	sdelay $0x2  }
0xb9: {  	s31 =	sshll.u32 s1, $0xD;
	s1 =	sshrl.u32 s1, $0x2  }
0xba: {  	s3 =	sand.u32 $0x4000, s31;
	s1 =	sadd.s32 s1, s30  }
0xbb: {  	s0 =	sor.u32 s3, s0;
	s1 =	sshll.u32 s1, $0x11  }
0xbc: {  	s0 =	sor.u32 s1, s0  }
0xbd: {  	s0 =	sadd.s32 $0x8F2B, s0  }
0xbe: {  	[sflag:s0] =	ssyncadd.remote.s32 $0x1  }
0xbf: {  	_ =	sfence.sel $0xFFFF  }
0xc0: {  	[dreg:$0x0] =	wrdreg $0xFFFFFFFF;
	(pc) =	sbr.abs _section_cstart, $3  }
0xc1: {  	[dreg:$0x1] =	wrdreg $0xFFFFFFFF  }
0xc2: {  	_ =	task.clear_ibuf [dreg:s7], $0x2FFFF;
	_ =	strace $0x9FFFFFFF  }
0xc3: {  	(tm) =	ssettm $0x7FFFFFFF  }
tec
execute0_lowered:
.L_overlay_start_1:
0x0: {  	(tag) =	ssettag $0x1  }
0x1: {  	s0 =	srdreg.scid;
	s2 =	rddreg [dreg:$0x0]  }
0x2: {  	s15 =	stileid.u32;
	s3 =	rddreg [dreg:$0x1]  }
0x3: {  	s1 =	simm.s32 $0x0;
	s0 =	sand.u32 $0x1, s0;
	s6 =	smul.u32 $0x14000, s15  }
0x4: {  	s4 =	sshll.u32 s15, $0x1;
	[smem:$0x7FF] =	sst s1;
	s15 =	smul.u32 $0x50000, s15  }
0x5: {  	s5 =	smul.u32 $0x140000, s0;
	s4 =	sor.u32 s0, s4;
	s0 =	ssub.s32 $0x2, s0  }
0x6: {  	s7 =	sadd.s32 $0x33200, s2;
	s4 =	smul.u32 $0x500, s4;
	s8 =	sshrl.u32 s0, $0x1  }
0x7: {  	s10 =	sadd.s32 $0x4000, s6;
	s12 =	sadd.s32 $0x6000, s6;
	s13 =	sadd.s32 $0x8000, s6  }
0x8: {  	s14 =	sadd.s32 $0xA000, s6;
	s17 =	sadd.s32 $0xC000, s6;
	s9 =	sadd.s32 s5, s6  }
0x9: {  	s0 =	ssub.s32 s0, s8;
	s11 =	sadd.s32 s5, s10;
	s21 =	sadd.s32 s5, s12  }
0xa: {  	s23 =	sadd.s32 s5, s13;
	s24 =	sadd.s32 s5, s14;
	s26 =	sadd.s32 s5, s17  }
0xb: {  	s18 =	sshrl.u32 s9, $0x3;
	s9 =	sor.u32 $0x2000, s6;
	s20 =	sshrl.u32 s11, $0x3  }
0xc: {  	s22 =	sshrl.u32 s21, $0x3;
	s25 =	sshrl.u32 s24, $0x3;
	s16 =	sshrl.u32 s26, $0x3  }
0xd: {  	s26 =	sadd.s32 $0x10000, s6;
	s11 =	rddreg [dreg:$0x2];
	s3 =	sadd.s32 s3, s4  }
0xe: {  	s0 =	smax.u32 s0, $0x1;
	s8 =	sadd.s32 s7, s18;
	s19 =	sadd.s32 s5, s9  }
0xf: {  	s18 =	sadd.s32 $0xE000, s6;
	[dreg:$0x4] =	wrdreg s8;
	s8 =	sshrl.u32 s19, $0x3  }
0x10: {  	s6 =	sadd.s32 $0x12000, s6;
	s19 =	sadd.s32 s5, s18;
	s8 =	sadd.s32 s7, s8  }
0x11: {  	s28 =	sadd.s32 s6, s11;
	[dreg:$0x5] =	wrdreg s8;
	s8 =	sadd.s32 s7, s20  }
0x12: {  	s20 =	sadd.s32 s5, s26;
	s5 =	sadd.s32 s5, s6;
	s26 =	sadd.s32 s26, s11  }
0x13: {  	s6 =	simm.s32 $0x9000;
	[dreg:$0x6] =	wrdreg s8;
	s8 =	sadd.s32 s7, s22  }
0x14: {  	s21 =	sshrl.u32 s20, $0x3;
	s5 =	sshrl.u32 s5, $0x3;
	s22 =	sshrl.u32 s15, $0x2  }
0x15: {  	s15 =	sadd.s32 $0xB200, s2;
	s20 =	sadd.s32 s10, s11;
	[dreg:$0x7] =	wrdreg s8  }
0x16: {  	s8 =	sshrl.u32 s23, $0x3;
	s5 =	sadd.s32 s7, s5;
	s23 =	sadd.s32 s4, s2  }
0x17: {  	s8 =	sadd.s32 s7, s8;
	[dreg:$0xd] =	wrdreg s5;
	s24 =	sadd.s32 $0x1200, s23  }
0x18: {  	s23 =	sadd.s32 s14, s11;
	[dreg:$0x8] =	wrdreg s8;
	s8 =	sadd.s32 s7, s25  }
0x19: {  	s25 =	sadd.s32 s9, s11;
	s9 =	simm.s32 $0x5000;
	[dreg:$0x9] =	wrdreg s8  }
0x1a: {  	s8 =	sadd.s32 s7, s16;
	s16 =	sadd.s32 s22, s11;
	s22 =	sadd.s32 s13, s11  }
0x1b: {  	s13 =	simm.s32 $0x0;
	[dreg:$0xa] =	wrdreg s8;
	s8 =	sshrl.u32 s19, $0x3  }
0x1c: {  	s29 =	sadd.s32 $0x2000, s16;
	s30 =	sadd.s32 $0x4000, s16;
	s8 =	sadd.s32 s7, s8  }
0x1d: {  	s31 =	sadd.s32 $0x6000, s16;
	[dreg:$0xb] =	wrdreg s8;
	s8 =	sadd.s32 s7, s21  }
0x1e: {  	s10 =	sadd.s32 $0x8000, s16;
	s2 =	sadd.s32 $0xC000, s16;
	[dreg:$0xc] =	wrdreg s8  }
0x1f: {  	s4 =	sadd.s32 $0x10000, s16;
	_ =	strace $0x8000004A;
	[dreg:$0xe] =	wrdreg s3  }
0x20: {  	s5 =	sadd.s32 $0x12000, s16;
	s21 =	sadd.s32 s12, s11;
	[dreg:$0xf] =	wrdreg s24  }
0x21: {  	s7 =	simm.s32 $0x2;
	s12 =	simm.s32 $0x1;
	[dreg:$0x10] =	wrdreg s0  }
0x22: {  	s8 =	simm.s32 $0x80;
	[dreg:$0x11] =	wrdreg s25;
	s24 =	sadd.s32 s17, s11  }
0x23: {  	v0 =	vimm.f32 $0.0e+00;
	s25 =	sadd.s32 s18, s11;
	s0 =	sadd.s32 $0xA000, s16;
	s3 =	sadd.s32 $0xE000, s16  }
.LBB2_1:
0x24: {  	s14 =	sand.u32 $0x7E00, s1  }
0x25: {  	s17 =	sand.u32 $0x70, s1;
	s18 =	sshrl.u32 s14, $0x2  }
0x26: {  	s14 =	simm.s32 $0x40;
	s18 =	sor.u32 s17, s18;
	s17 =	simm.s32 $0x0  }
.LBB2_2:
0x27: {  	p0 =	sne.s32 s14, $0x7FC0  }
0x28: {  	[tilespmem:s18+$0x9000] =	vst v0;
	s17 =	sadd.s32 $0x10, s17;
	s18 =	smov.u32 s14;
	s14 =	sadd.s32 $0x40, s14  }
.Ltmp0:
0x29: {  	(pc) =	sbr.rel @p0 .LBB2_2-.Ltmp0, $4  }
0x2a: {  	_ = 	snop  }
0x2b: {  	s18 =	sand.u32 $0x7E00, s18  }
0x2c: {  	s19 =	sand.u32 $0x70, s17;
	s18 =	sshrl.u32 s18, $0x2  }
0x2d: {  	s18 =	sor.u32 s19, s18  }
0x2e: {  	[tilespmem:s18+$0x9000] =	vst v0  }
0x2f: {  	[spmem:s16] =	stream.linear.scatter [tilespmem:s6], [sflag:$0x2], $0x2000, $0x38;
	[tilespmem:$0x1F000] =	vst v63  }
0x30: {  	_ =	swait.ge [sflag:s7], $0x2000  }
0x31: {  	[sflag:s7] =	ssyncset.done $0x0  }
0x32: {  	[sflag:s7] =	ssyncadd.s32 $0xFFFFE000  }
0x33: {  	[spmem:s29] =	stream.linear.scatter [tilespmem:s6], [sflag:$0x2], $0x2000, $0x38;
	[tilespmem:$0x1F000] =	vst v63  }
0x34: {  	_ =	swait.ge [sflag:s7], $0x2000  }
0x35: {  	[sflag:s7] =	ssyncset.done $0x0  }
0x36: {  	[sflag:s7] =	ssyncadd.s32 $0xFFFFE000  }
0x37: {  	[spmem:s30] =	stream.linear.scatter [tilespmem:s6], [sflag:$0x2], $0x2000, $0x38;
	[tilespmem:$0x1F000] =	vst v63  }
0x38: {  	_ =	swait.ge [sflag:s7], $0x2000  }
0x39: {  	[sflag:s7] =	ssyncset.done $0x0  }
0x3a: {  	[sflag:s7] =	ssyncadd.s32 $0xFFFFE000  }
0x3b: {  	[spmem:s31] =	stream.linear.scatter [tilespmem:s6], [sflag:$0x2], $0x2000, $0x38;
	[tilespmem:$0x1F000] =	vst v63  }
0x3c: {  	_ =	swait.ge [sflag:s7], $0x2000  }
0x3d: {  	[sflag:s7] =	ssyncset.done $0x0  }
0x3e: {  	[sflag:s7] =	ssyncadd.s32 $0xFFFFE000  }
0x3f: {  	[spmem:s10] =	stream.linear.scatter [tilespmem:s6], [sflag:$0x2], $0x2000, $0x38;
	[tilespmem:$0x1F000] =	vst v63  }
0x40: {  	_ =	swait.ge [sflag:s7], $0x2000  }
0x41: {  	[sflag:s7] =	ssyncset.done $0x0  }
0x42: {  	[sflag:s7] =	ssyncadd.s32 $0xFFFFE000  }
0x43: {  	[spmem:s0] =	stream.linear.scatter [tilespmem:s6], [sflag:$0x2], $0x2000, $0x38;
	[tilespmem:$0x1F000] =	vst v63  }
0x44: {  	_ =	swait.ge [sflag:s7], $0x2000  }
0x45: {  	[sflag:s7] =	ssyncset.done $0x0  }
0x46: {  	[sflag:s7] =	ssyncadd.s32 $0xFFFFE000  }
0x47: {  	[spmem:s2] =	stream.linear.scatter [tilespmem:s6], [sflag:$0x2], $0x2000, $0x38;
	[tilespmem:$0x1F000] =	vst v63  }
0x48: {  	_ =	swait.ge [sflag:s7], $0x2000  }
0x49: {  	[sflag:s7] =	ssyncset.done $0x0  }
0x4a: {  	[sflag:s7] =	ssyncadd.s32 $0xFFFFE000  }
0x4b: {  	[spmem:s3] =	stream.linear.scatter [tilespmem:s6], [sflag:$0x2], $0x2000, $0x38;
	[tilespmem:$0x1F000] =	vst v63  }
0x4c: {  	_ =	swait.ge [sflag:s7], $0x2000  }
0x4d: {  	[sflag:s7] =	ssyncset.done $0x0  }
0x4e: {  	[sflag:s7] =	ssyncadd.s32 $0xFFFFE000  }
0x4f: {  	[spmem:s4] =	stream.linear.scatter [tilespmem:s6], [sflag:$0x2], $0x2000, $0x38;
	[tilespmem:$0x1F000] =	vst v63  }
0x50: {  	_ =	swait.ge [sflag:s7], $0x2000  }
0x51: {  	[sflag:s7] =	ssyncset.done $0x0  }
0x52: {  	[sflag:s7] =	ssyncadd.s32 $0xFFFFE000  }
0x53: {  	[spmem:s5] =	stream.linear.scatter [tilespmem:s6], [sflag:$0x2], $0x2000, $0x38;
	[tilespmem:$0x1F000] =	vst v63  }
0x54: {  	_ =	swait.ge [sflag:s7], $0x2000  }
0x55: {  	[sflag:s7] =	ssyncset.done $0x0  }
0x56: {  	[sflag:s7] =	ssyncadd.s32 $0xFFFFE000  }
0x57: {  	[bflag:$0x0] =	sbarrier.arrive $0xFFFF  }
0x58: {  	s14 =	simm.s32 $0x0;
	s17 =	rddreg [dreg:$0xe]  }
0x59: {  	[tilespmem:s14], [sflag:$0x2] =	stream.linear.gather [hbm4b:s17+s14], $0x2780, $0x38;
	[tilespmem:$0x1F000] =	vst v63  }
0x5a: {  	_ =	swait.ge [sflag:s7], $0x2780  }
0x5b: {  	[sflag:s7] =	ssyncset.done $0x0  }
0x5c: {  	s19 =	simm.s32 $0x2800;
	s18 =	rddreg [dreg:$0xf];
	[sflag:s7] =	ssyncadd.s32 $0xFFFFD880  }
0x5d: {  	[tilespmem:s19], [sflag:$0x2] =	stream.linear.gather [hbm4b:s18+s14], $0x2780, $0x38;
	[tilespmem:$0x1F000] =	vst v63  }
0x5e: {  	_ =	swait.ge [sflag:s7], $0x2780  }
0x5f: {  	[sflag:s7] =	ssyncset.done $0x0  }
0x60: {  	s18 =	simm.s32 $0x0;
	[sflag:s7] =	ssyncadd.s32 $0xFFFFD880  }
0x61: {  	[tilespmem:s9], [sflag:$0x1] =	stream.indirect.gather [hbm4b:s15+s8], $0x80, s18, s8, $0xb8;
	[tilespmem:$0x1F000] =	vst v63  }
0x62: {  	_ =	swait.ge [sflag:s12], $0x4000  }
0x63: {  	[sflag:s12] =	ssyncset.done $0x0  }
0x64: {  	s19 =	simm.s32 $0x2800;
	[sflag:s12] =	ssyncadd.s32 $0xFFFFC000  }
0x65: {  	[spmem:s11] =	stream.indirect.scatter.add.f32 [tilespmem:s9], [sflag:$0x2], $0x80, s19, s8, $0xb8;
	[tilespmem:$0x1F000] =	vst v63  }
0x66: {  	_ =	swait.ge [sflag:s7], $0x4000  }
0x67: {  	s17 =	simm.s32 $0x400;
	s14 =	simm.s32 $0x200;
	[sflag:s7] =	ssyncset.done $0x0  }
.LBB2_4:
0x68: {  	s18 =	sshra.s32 s14, $0x2  }
0x69: {  	[sflag:s7] =	ssyncadd.s32 $0xFFFFC000;
	s14 =	smov.u32 s17;
	s19 =	sadd.s32 $0x200, s17  }
0x6a: {  	[tilespmem:s9], [sflag:$0x1] =	stream.indirect.gather [hbm4b:s15+s8], $0x80, s18, s8, $0xb8;
	[tilespmem:$0x1F000] =	vst v63  }
0x6b: {  	p0 =	sne.s32 s17, $0x9C00;
	_ =	swait.ge [sflag:s12], $0x4000  }
.Ltmp1:
0x6c: {  	[sflag:s12] =	ssyncset.done $0x0;
	(pc) =	sbr.rel @p0 .LBB2_4-.Ltmp1, $4  }
0x6d: {  	s17 =	sadd.s32 $0x2800, s18;
	[sflag:s12] =	ssyncadd.s32 $0xFFFFC000  }
0x6e: {  	[spmem:s11] =	stream.indirect.scatter.add.f32 [tilespmem:s9], [sflag:$0x2], $0x80, s17, s8, $0xb8;
	[tilespmem:$0x1F000] =	vst v63  }
0x6f: {  	_ =	swait.ge [sflag:s7], $0x4000  }
0x70: {  	s17 =	smov.u32 s19;
	[sflag:s7] =	ssyncset.done $0x0  }
0x71: {  	s14 =	sshra.s32 s14, $0x2;
	[sflag:s7] =	ssyncadd.s32 $0xFFFFC000  }
0x72: {  	[tilespmem:s9], [sflag:$0x1] =	stream.indirect.gather [hbm4b:s15+s8], $0x80, s14, s8, $0xb8;
	[tilespmem:$0x1F000] =	vst v63  }
0x73: {  	_ =	swait.ge [sflag:s12], $0x4000  }
0x74: {  	[sflag:s12] =	ssyncset.done $0x0  }
0x75: {  	s14 =	sadd.s32 $0x2800, s14;
	[sflag:s12] =	ssyncadd.s32 $0xFFFFC000  }
0x76: {  	[spmem:s11] =	stream.indirect.scatter.add.f32 [tilespmem:s9], [sflag:$0x2], $0x80, s14, s8, $0xb8;
	[tilespmem:$0x1F000] =	vst v63  }
0x77: {  	_ =	swait.ge [sflag:s7], $0x4000  }
0x78: {  	[sflag:s7] =	ssyncset.done $0x0  }
0x79: {  	[sflag:s7] =	ssyncadd.s32 $0xFFFFC000  }
0x7a: {  	[bflag:$0x0] =	sbarrier.arrive $0xFFFF  }
0x7b: {  	[tilespmem:s6], [sflag:$0x2] =	stream.linear.gather [spmem:s16], $0x2000, $0x38;
	[tilespmem:$0x1F000] =	vst v63  }
0x7c: {  	_ =	swait.ge [sflag:s7], $0x2000  }
0x7d: {  	[sflag:s7] =	ssyncset.done $0x0  }
0x7e: {  	s17 =	rddreg [dreg:$0x4];
	[sflag:s7] =	ssyncadd.s32 $0xFFFFE000  }
0x7f: {  	[hbm4b:s17+s1] =	stream.linear.scatter [tilespmem:s6], [sflag:$0x2], $0x2000, $0x38;
	[tilespmem:$0x1F000] =	vst v63  }
0x80: {  	_ =	swait.ge [sflag:s7], $0x2000  }
0x81: {  	[sflag:s7] =	ssyncset.done $0x0  }
0x82: {  	s18 =	rddreg [dreg:$0x11];
	[sflag:s7] =	ssyncadd.s32 $0xFFFFE000  }
0x83: {  	[tilespmem:s6], [sflag:$0x2] =	stream.linear.gather [spmem:s18], $0x2000, $0x38;
	[tilespmem:$0x1F000] =	vst v63  }
0x84: {  	_ =	swait.ge [sflag:s7], $0x2000  }
0x85: {  	[sflag:s7] =	ssyncset.done $0x0  }
0x86: {  	s19 =	rddreg [dreg:$0x5];
	[sflag:s7] =	ssyncadd.s32 $0xFFFFE000  }
0x87: {  	[hbm4b:s19+s1] =	stream.linear.scatter [tilespmem:s6], [sflag:$0x2], $0x2000, $0x38;
	[tilespmem:$0x1F000] =	vst v63  }
0x88: {  	_ =	swait.ge [sflag:s7], $0x2000  }
0x89: {  	[sflag:s7] =	ssyncset.done $0x0  }
0x8a: {  	[sflag:s7] =	ssyncadd.s32 $0xFFFFE000  }
0x8b: {  	[tilespmem:s6], [sflag:$0x2] =	stream.linear.gather [spmem:s20], $0x2000, $0x38;
	[tilespmem:$0x1F000] =	vst v63  }
0x8c: {  	_ =	swait.ge [sflag:s7], $0x2000  }
0x8d: {  	[sflag:s7] =	ssyncset.done $0x0  }
0x8e: {  	s17 =	rddreg [dreg:$0x6];
	[sflag:s7] =	ssyncadd.s32 $0xFFFFE000  }
0x8f: {  	[hbm4b:s17+s1] =	stream.linear.scatter [tilespmem:s6], [sflag:$0x2], $0x2000, $0x38;
	[tilespmem:$0x1F000] =	vst v63  }
0x90: {  	_ =	swait.ge [sflag:s7], $0x2000  }
0x91: {  	[sflag:s7] =	ssyncset.done $0x0  }
0x92: {  	[sflag:s7] =	ssyncadd.s32 $0xFFFFE000  }
0x93: {  	[tilespmem:s6], [sflag:$0x2] =	stream.linear.gather [spmem:s21], $0x2000, $0x38;
	[tilespmem:$0x1F000] =	vst v63  }
0x94: {  	_ =	swait.ge [sflag:s7], $0x2000  }
0x95: {  	[sflag:s7] =	ssyncset.done $0x0  }
0x96: {  	s18 =	rddreg [dreg:$0x7];
	[sflag:s7] =	ssyncadd.s32 $0xFFFFE000  }
0x97: {  	[hbm4b:s18+s1] =	stream.linear.scatter [tilespmem:s6], [sflag:$0x2], $0x2000, $0x38;
	[tilespmem:$0x1F000] =	vst v63  }
0x98: {  	_ =	swait.ge [sflag:s7], $0x2000  }
0x99: {  	[sflag:s7] =	ssyncset.done $0x0  }
0x9a: {  	[sflag:s7] =	ssyncadd.s32 $0xFFFFE000  }
0x9b: {  	[tilespmem:s6], [sflag:$0x2] =	stream.linear.gather [spmem:s22], $0x2000, $0x38;
	[tilespmem:$0x1F000] =	vst v63  }
0x9c: {  	_ =	swait.ge [sflag:s7], $0x2000  }
0x9d: {  	[sflag:s7] =	ssyncset.done $0x0  }
0x9e: {  	s19 =	rddreg [dreg:$0x8];
	[sflag:s7] =	ssyncadd.s32 $0xFFFFE000  }
0x9f: {  	[hbm4b:s19+s1] =	stream.linear.scatter [tilespmem:s6], [sflag:$0x2], $0x2000, $0x38;
	[tilespmem:$0x1F000] =	vst v63  }
0xa0: {  	_ =	swait.ge [sflag:s7], $0x2000  }
0xa1: {  	[sflag:s7] =	ssyncset.done $0x0  }
0xa2: {  	[sflag:s7] =	ssyncadd.s32 $0xFFFFE000  }
0xa3: {  	[tilespmem:s6], [sflag:$0x2] =	stream.linear.gather [spmem:s23], $0x2000, $0x38;
	[tilespmem:$0x1F000] =	vst v63  }
0xa4: {  	_ =	swait.ge [sflag:s7], $0x2000  }
0xa5: {  	[sflag:s7] =	ssyncset.done $0x0  }
0xa6: {  	s17 =	rddreg [dreg:$0x9];
	[sflag:s7] =	ssyncadd.s32 $0xFFFFE000  }
0xa7: {  	[hbm4b:s17+s1] =	stream.linear.scatter [tilespmem:s6], [sflag:$0x2], $0x2000, $0x38;
	[tilespmem:$0x1F000] =	vst v63  }
0xa8: {  	_ =	swait.ge [sflag:s7], $0x2000  }
0xa9: {  	[sflag:s7] =	ssyncset.done $0x0  }
0xaa: {  	[sflag:s7] =	ssyncadd.s32 $0xFFFFE000  }
0xab: {  	[tilespmem:s6], [sflag:$0x2] =	stream.linear.gather [spmem:s24], $0x2000, $0x38;
	[tilespmem:$0x1F000] =	vst v63  }
0xac: {  	_ =	swait.ge [sflag:s7], $0x2000  }
0xad: {  	[sflag:s7] =	ssyncset.done $0x0  }
0xae: {  	s18 =	rddreg [dreg:$0xa];
	[sflag:s7] =	ssyncadd.s32 $0xFFFFE000  }
0xaf: {  	[hbm4b:s18+s1] =	stream.linear.scatter [tilespmem:s6], [sflag:$0x2], $0x2000, $0x38;
	[tilespmem:$0x1F000] =	vst v63  }
0xb0: {  	_ =	swait.ge [sflag:s7], $0x2000  }
0xb1: {  	[sflag:s7] =	ssyncset.done $0x0  }
0xb2: {  	[sflag:s7] =	ssyncadd.s32 $0xFFFFE000  }
0xb3: {  	[tilespmem:s6], [sflag:$0x2] =	stream.linear.gather [spmem:s25], $0x2000, $0x38;
	[tilespmem:$0x1F000] =	vst v63  }
0xb4: {  	_ =	swait.ge [sflag:s7], $0x2000  }
0xb5: {  	[sflag:s7] =	ssyncset.done $0x0  }
0xb6: {  	s19 =	rddreg [dreg:$0xb];
	[sflag:s7] =	ssyncadd.s32 $0xFFFFE000  }
0xb7: {  	[hbm4b:s19+s1] =	stream.linear.scatter [tilespmem:s6], [sflag:$0x2], $0x2000, $0x38;
	[tilespmem:$0x1F000] =	vst v63  }
0xb8: {  	_ =	swait.ge [sflag:s7], $0x2000  }
0xb9: {  	[sflag:s7] =	ssyncset.done $0x0  }
0xba: {  	[sflag:s7] =	ssyncadd.s32 $0xFFFFE000  }
0xbb: {  	[tilespmem:s6], [sflag:$0x2] =	stream.linear.gather [spmem:s26], $0x2000, $0x38;
	[tilespmem:$0x1F000] =	vst v63  }
0xbc: {  	_ =	swait.ge [sflag:s7], $0x2000  }
0xbd: {  	[sflag:s7] =	ssyncset.done $0x0  }
0xbe: {  	s17 =	rddreg [dreg:$0xc];
	[sflag:s7] =	ssyncadd.s32 $0xFFFFE000  }
0xbf: {  	[hbm4b:s17+s1] =	stream.linear.scatter [tilespmem:s6], [sflag:$0x2], $0x2000, $0x38;
	[tilespmem:$0x1F000] =	vst v63  }
0xc0: {  	_ =	swait.ge [sflag:s7], $0x2000  }
0xc1: {  	[sflag:s7] =	ssyncset.done $0x0  }
0xc2: {  	[sflag:s7] =	ssyncadd.s32 $0xFFFFE000  }
0xc3: {  	[tilespmem:s6], [sflag:$0x2] =	stream.linear.gather [spmem:s28], $0x2000, $0x38;
	[tilespmem:$0x1F000] =	vst v63  }
0xc4: {  	_ =	swait.ge [sflag:s7], $0x2000  }
0xc5: {  	[sflag:s7] =	ssyncset.done $0x0  }
0xc6: {  	s18 =	rddreg [dreg:$0xd];
	[sflag:s7] =	ssyncadd.s32 $0xFFFFE000  }
0xc7: {  	[hbm4b:s18+s1] =	stream.linear.scatter [tilespmem:s6], [sflag:$0x2], $0x2000, $0x38;
	[tilespmem:$0x1F000] =	vst v63  }
0xc8: {  	_ =	swait.ge [sflag:s7], $0x2000  }
0xc9: {  	s13 =	sadd.s32 $0x1, s13;
	s19 =	rddreg [dreg:$0x10]  }
0xca: {  	p0 =	sne.s32 s13, s19  }
.Ltmp2:
0xcb: {  	_ = 	snop;
	(pc) =	sbr.rel @p0 .LBB2_1-.Ltmp2, $3  }
0xcc: {  	_ =	sdelay $0x1  }
0xcd: {  	[sflag:s7] =	ssyncset.done $0x0  }
0xce: {  	[sflag:s7] =	ssyncadd.s32 $0xFFFFE000  }
0xcf: {  	_ =	sfence.sel $0x180000  }
0xd0: {  	[bflag:$0x0] =	sbarrier.arrive $0xFFFF  }
0xd1: {  	_ =	strace $0x9000004A  }
0xd2: {  	s0 =	stileid.u32;
	[bflag:$0x2] =	sbarrier.arrive $0xFFFF  }
0xd3: {  	p0 =	sne.s32 s0, $0x0;
	s0 =	rddreg [dreg:$0x3]  }
0xd4: {  	s0 =	sadd.s32 @!p0 $0x100000, s0  }
0xd5: {  	[sflag:s0] =	ssyncadd.tile.s32 @!p0 $0x1;
	_ =	shalt  }
.Lfunc_end2:
_tile_overlayer_lowered:
.L_overlay_start_2:
0xd6: {  	(tag) =	ssettag $0x2  }
0xd7: {  	s0 =	rddreg [dreg:$0x0];
	s2 =	stileid.u32  }
0xd8: {  	s1 =	rddreg [dreg:$0x1];
	p0 =	sne.s32 s2, $0x0  }
0xd9: {  	s3 =	rddreg [dreg:$0x2];
	[bflag:$0x3] =	sbarrier.arrive $0xFFFF;
	s2 =	simm.s32 @!p0 $0x1C02  }
0xda: {  	[timem:s3], [sflag:s2] =	dma.local @!p0 [hbm:s0], s1  }
0xdb: {  	s0 =	simm.s32 @!p0 $0x2  }
0xdc: {  	_ =	swait.ge @!p0 [sflag:s0], s1  }
0xdd: {  	s1 =	ssub.s32 @!p0 $0x0, s1;
	[sflag:s0] =	ssyncset.done @!p0 $0x0  }
0xde: {  	[sflag:s0] =	ssyncadd.s32 @!p0 s1  }
0xdf: {  	[bflag:$0x3] =	sbarrier.arrive $0xFFFF  }
0xe0: {  	_ =	shalt  }

</sc_bundles>
